<compile_context>
chip_gen: v7x
topology: tpu7x:2x2x1
jax: 0.10.2.dev20260603
libtpu: 0.0.44.dev20260713+nightly
codegen_flags: <defaults>
</compile_context>

<pallas_src>
import functools

import jax
import jax.numpy as jnp
from jax import lax
from jax.experimental import pallas as pl
from jax.experimental.pallas import tpu as pltpu
from jax.experimental.pallas import tpu_sc as plsc

N_NODES = 100000
IN_DIM = 128
NUM_CLASSES = 10
N_GRAPHS = 512
HP = 16

R = 4000
WIN = 64

NT = 88000
NS = N_NODES - NT
NBLK = NT // R

NW = 32
CH = 125
NCH_S = NS // (NW * CH)
GB = NCH_S
NGRP = 1
C0 = 0

_info = plsc.get_sparse_core_info()
_mesh = plsc.VectorSubcoreMesh(
    core_axis_name="c", subcore_axis_name="s", num_cores=_info.num_cores)


def _tc_body(x_ref, b3_ref, wt_ref, out_ref):
    i = pl.program_id(0)

    @pl.when(i == 0)
    def _():
        out_ref[...] = jnp.zeros_like(out_ref)

    h = jnp.dot(x_ref[...], wt_ref[...], preferred_element_type=jnp.float32)
    lane = jax.lax.broadcasted_iota(jnp.int32, (R, HP), 1)
    h_aug = jnp.where(lane == NUM_CLASSES, 1.0, h)

    bids = b3_ref[0, 0, :]
    h_bf = h_aug.astype(jnp.bfloat16)

    g0 = jnp.minimum((bids[0] // 8) * 8, N_GRAPHS - WIN)
    span_ok = (bids[R - 1] - g0) < WIN

    @pl.when(span_ok)
    def _():
        rel = bids - g0
        seg = jax.lax.broadcasted_iota(jnp.int32, (WIN, R), 0)
        onehot_t = (seg == rel[None, :]).astype(jnp.bfloat16)
        upd = jnp.dot(onehot_t, h_bf, preferred_element_type=jnp.float32)
        out_ref[pl.ds(g0, WIN), :] += upd

    @pl.when(jnp.logical_not(span_ok))
    def _():
        seg = jax.lax.broadcasted_iota(jnp.int32, (N_GRAPHS, R), 0)
        onehot_t = (seg == bids[None, :]).astype(jnp.bfloat16)
        out_ref[...] += jnp.dot(onehot_t, h_bf, preferred_element_type=jnp.float32)


@functools.partial(
    pl.kernel,
    mesh=_mesh,
    out_type=[
        jax.ShapeDtypeStruct((2, N_GRAPHS, IN_DIM), jnp.float32),
        jax.ShapeDtypeStruct((2, N_GRAPHS, IN_DIM), jnp.float32),
    ],
    scratch_types=[
        pltpu.VMEM((GB, CH, IN_DIM), jnp.float32),
        pltpu.VMEM((CH,), jnp.int32),
        pltpu.VMEM((CH,), jnp.int32),
        pltpu.VMEM((CH,), jnp.int32),
        pltpu.VMEM((CH,), jnp.int32),
        pltpu.VMEM((CH,), jnp.int32),
        pltpu.VMEM((CH,), jnp.int32),
        pltpu.VMEM((CH, IN_DIM), jnp.float32),
        pltpu.VMEM_SHARED((N_GRAPHS, IN_DIM), jnp.float32),
        pltpu.VMEM_SHARED((N_GRAPHS, IN_DIM), jnp.float32),
        pltpu.SemaphoreType.DMA,
        pltpu.SemaphoreType.DMA,
    ],
)
def _sc_segsum(x_hbm, batch2_hbm, rix2_hbm, ones_hbm, zvec_hbm,
               outp_hbm, outc_hbm,
               stage_v, i0, i1, i2, r0, r1, r2, ones_v, acc_sh, cnt_sh, sg, ss):
    cid = lax.axis_index("c")
    sid = lax.axis_index("s")
    wid = cid * 16 + sid
    base = C0 + wid * NCH_S
    idxs = [i0, i1, i2]
    rixs = [r0, r1, r2]

    @pl.when(sid == 0)
    def _():
        pltpu.sync_copy(zvec_hbm, acc_sh)
        pltpu.sync_copy(zvec_hbm, cnt_sh)

    pltpu.sync_copy(ones_hbm, ones_v)
    plsc.subcore_barrier()

    hs = []
    for r in range(GB):
        c = base + r
        hs.append(pltpu.async_copy(batch2_hbm.at[c, 0], idxs[r], sg))
        hs.append(pltpu.async_copy(rix2_hbm.at[c, 0], rixs[r], sg))
    for h in hs:
        h.wait()
    hs = []
    for r in range(GB):
        hs.append(pltpu.async_copy(x_hbm.at[rixs[r]], stage_v.at[r], sg))
    sh = []
    for r in range(GB):
        hs[r].wait()
        sh.append(pltpu.async_copy(stage_v.at[r], acc_sh.at[idxs[r]], ss,
                                   add=True))
        sh.append(pltpu.async_copy(ones_v, cnt_sh.at[idxs[r]], ss,
                                   add=True))
    for h in sh:
        h.wait()

    plsc.subcore_barrier()

    @pl.when(sid == 0)
    def _():
        pltpu.sync_copy(acc_sh, outp_hbm.at[cid])
        pltpu.sync_copy(cnt_sh, outc_hbm.at[cid])


def _combine_body(a_ref, p_ref, c_ref, wt_ref, b_ref, o_ref):
    s = p_ref[0:N_GRAPHS, :] + p_ref[N_GRAPHS:2 * N_GRAPHS, :]
    cnt = (c_ref[0:N_GRAPHS, 0:1] + c_ref[N_GRAPHS:2 * N_GRAPHS, 0:1]
           + a_ref[:, NUM_CLASSES:NUM_CLASSES + 1])
    proj = jnp.dot(s, wt_ref[...], preferred_element_type=jnp.float32)
    o_ref[...] = (a_ref[:, :NUM_CLASSES] + proj[:, :NUM_CLASSES]
                  + cnt * b_ref[...])


def kernel(x, edge_index, batch, W, b):
    del edge_index
    wt_pad = jnp.zeros((IN_DIM, HP), jnp.float32).at[:, :NUM_CLASSES].set(W.T)
    batch3 = batch[:NT].reshape(NBLK, 1, R)

    batch2 = batch[NT:].reshape(NS // CH, 1, CH)
    rix2 = (NT + jnp.arange(NS, dtype=jnp.int32)).reshape(NS // CH, 1, CH)
    ones_rows = jnp.ones((CH, IN_DIM), jnp.float32)
    zvec = jnp.zeros((N_GRAPHS, IN_DIM), jnp.float32)

    partials, cnts = _sc_segsum(x, batch2, rix2, ones_rows, zvec)
    p2 = partials.reshape(2 * N_GRAPHS, IN_DIM)
    c2 = cnts.reshape(2 * N_GRAPHS, IN_DIM)

    acc_tc = pl.pallas_call(
        _tc_body,
        grid=(NBLK,),
        in_specs=[
            pl.BlockSpec((R, IN_DIM), lambda i: (i, 0)),
            pl.BlockSpec((1, 1, R), lambda i: (i, 0, 0)),
            pl.BlockSpec((IN_DIM, HP), lambda i: (0, 0)),
        ],
        out_specs=pl.BlockSpec((N_GRAPHS, HP), lambda i: (0, 0)),
        out_shape=jax.ShapeDtypeStruct((N_GRAPHS, HP), jnp.float32),
        compiler_params=pltpu.CompilerParams(
            dimension_semantics=("arbitrary",),
        ),
    )(x, batch3, wt_pad)

    out = pl.pallas_call(
        _combine_body,
        in_specs=[
            pl.BlockSpec((N_GRAPHS, HP), lambda: (0, 0)),
            pl.BlockSpec((2 * N_GRAPHS, IN_DIM), lambda: (0, 0)),
            pl.BlockSpec((2 * N_GRAPHS, IN_DIM), lambda: (0, 0)),
            pl.BlockSpec((IN_DIM, HP), lambda: (0, 0)),
            pl.BlockSpec((1, NUM_CLASSES), lambda: (0, 0)),
        ],
        out_specs=pl.BlockSpec((N_GRAPHS, NUM_CLASSES), lambda: (0, 0)),
        out_shape=jax.ShapeDtypeStruct((N_GRAPHS, NUM_CLASSES), jnp.float32),
    )(acc_tc, p2, c2, wt_pad, b.reshape(1, NUM_CLASSES))
    return out

# --- scband reference (transcript-rebuilt; emitter-appended) ---
"""Pipeline reference for scband-tiny-graph-model-13640816132821 (READ-ONLY COPY).

The authoritative reference and input builder live on the scoring server;
editing this copy changes nothing except your own understanding.
"""

import jax, jax.numpy as jnp
import numpy as np

N_NODES = 100000
N_EDGES = 500000
IN_DIM = 128
NUM_CLASSES = 10
N_GRAPHS = 512


def setup_inputs(seed: int = 0) -> dict:
    key = jax.random.key(seed)
    k1, k2, k3, k4, k5 = jax.random.split(key, 5)
    x = jax.random.normal(k1, (N_NODES, IN_DIM), dtype=jnp.float32)
    edge_index = jax.random.randint(k2, (2, N_EDGES), 0, N_NODES, dtype=jnp.int32)
    batch = jnp.sort(jax.random.randint(k3, (N_NODES,), 0, N_GRAPHS, dtype=jnp.int32))
    # Linear params, torch default init: U(-1/sqrt(in_dim), 1/sqrt(in_dim))
    bound = 1.0 / np.sqrt(IN_DIM)
    W = jax.random.uniform(k4, (NUM_CLASSES, IN_DIM), minval=-bound, maxval=bound, dtype=jnp.float32)
    b = jax.random.uniform(k5, (NUM_CLASSES,), minval=-bound, maxval=bound, dtype=jnp.float32)
    return {"x": x, "edge_index": edge_index, "batch": batch, "W": W, "b": b}


def reference(x, edge_index, batch, W, b):
    # h = self.lin(x)
    h = x @ W.T + b
    # n_graphs = batch.max() + 1; out.index_add_(0, batch, h)
    n_graphs = N_GRAPHS
    out = jax.ops.segment_sum(h, batch, num_segments=n_graphs)
    return out

if __name__ == "__main__":
    import jax
    _d = setup_inputs()
    print(jax.jit(kernel)(*tuple(_d.values())))

</pallas_src>

<mosaic_0001>
#map = affine_map<(d0, d1) -> (0, 0)>
#map1 = affine_map<(d0, d1) -> (0, 0, 0)>
module attributes {stable_mosaic.version = 14 : i64} {
  func.func @_sc_segsum(%arg0: i32, %arg1: i32, %arg2: memref<100000x128xf32, #tpu.memory_space<hbm>>, %arg3: memref<96x1x125xi32, #tpu.memory_space<hbm>>, %arg4: memref<96x1x125xi32, #tpu.memory_space<hbm>>, %arg5: memref<125x128xf32, #tpu.memory_space<hbm>>, %arg6: memref<512x128xf32, #tpu.memory_space<hbm>>, %arg7: memref<2x512x128xf32, #tpu.memory_space<hbm>>, %arg8: memref<2x512x128xf32, #tpu.memory_space<hbm>>, %arg9: memref<3x125x128xf32, #tpu.memory_space<vmem>>, %arg10: memref<125xi32, #tpu.memory_space<vmem>>, %arg11: memref<125xi32, #tpu.memory_space<vmem>>, %arg12: memref<125xi32, #tpu.memory_space<vmem>>, %arg13: memref<125xi32, #tpu.memory_space<vmem>>, %arg14: memref<125xi32, #tpu.memory_space<vmem>>, %arg15: memref<125xi32, #tpu.memory_space<vmem>>, %arg16: memref<125x128xf32, #tpu.memory_space<vmem>>, %arg17: memref<512x128xf32, #tpu.memory_space<vmem_shared>>, %arg18: memref<512x128xf32, #tpu.memory_space<vmem_shared>>, %arg19: memref<!tpu.dma_semaphore, #tpu.memory_space<semaphore_mem>>, %arg20: memref<!tpu.dma_semaphore, #tpu.memory_space<semaphore_mem>>) attributes {dimension_semantics = [#tpu.dimension_semantics<core_parallel>, #tpu.dimension_semantics<subcore_parallel>], iteration_bounds = array<i64: 2, 16>, scalar_prefetch = 0 : i64, scratch_operands = 12 : i64, tpu.core_type = #tpu.core_type<sc_vector_subcore>, window_params = [{transform_indices = #map}, {transform_indices = #map1}, {transform_indices = #map1}, {transform_indices = #map}, {transform_indices = #map}, {transform_indices = #map1}, {transform_indices = #map1}]} {
    %mul3A = arith.constant 16 : i32
    %mul3A_0 = arith.muli %arg0, %mul3A : i32
    %add3A = arith.addi %mul3A_0, %arg1 : i32
    %mul3A_1 = arith.constant 3 : i32
    %mul3A_2 = arith.muli %add3A, %mul3A_1 : i32
    %add3A_3 = arith.constant 0 : i32
    %add3A_4 = arith.addi %add3A_3, %mul3A_2 : i32
    %eq3A = arith.constant 0 : i32
    %eq3A_5 = arith.cmpi eq, %arg1, %eq3A : i32
    %convert_element_type3A = arith.extui %eq3A_5 : i1 to i32
    %cond3A = arith.constant 0 : i32
    %cond3A_6 = arith.cmpi ne, %convert_element_type3A, %cond3A : i32
    scf.if %cond3A_6 {
      "tpu.region"() ({
        %run_scoped3A = tpu.sem_alloc : memref<!tpu.dma_semaphore, #tpu.memory_space<semaphore_mem>>
        tpu.enqueue_dma source(%arg6 : memref<512x128xf32, #tpu.memory_space<hbm>>) target(%arg17 : memref<512x128xf32, #tpu.memory_space<vmem_shared>>) target_semaphore(%run_scoped3A : memref<!tpu.dma_semaphore, #tpu.memory_space<semaphore_mem>>)
        tpu.wait_dma2 semaphore(%run_scoped3A : memref<!tpu.dma_semaphore, #tpu.memory_space<semaphore_mem>>) src(%arg6 : memref<512x128xf32, #tpu.memory_space<hbm>>) dst(%arg17 : memref<512x128xf32, #tpu.memory_space<vmem_shared>>)
        tpu.yield
      }) : () -> ()
      "tpu.region"() ({
        %run_scoped3A = tpu.sem_alloc : memref<!tpu.dma_semaphore, #tpu.memory_space<semaphore_mem>>
        tpu.enqueue_dma source(%arg6 : memref<512x128xf32, #tpu.memory_space<hbm>>) target(%arg18 : memref<512x128xf32, #tpu.memory_space<vmem_shared>>) target_semaphore(%run_scoped3A : memref<!tpu.dma_semaphore, #tpu.memory_space<semaphore_mem>>)
        tpu.wait_dma2 semaphore(%run_scoped3A : memref<!tpu.dma_semaphore, #tpu.memory_space<semaphore_mem>>) src(%arg6 : memref<512x128xf32, #tpu.memory_space<hbm>>) dst(%arg18 : memref<512x128xf32, #tpu.memory_space<vmem_shared>>)
        tpu.yield
      }) : () -> ()
    } else {
    }
    "tpu.region"() ({
      %run_scoped3A = tpu.sem_alloc : memref<!tpu.dma_semaphore, #tpu.memory_space<semaphore_mem>>
      tpu.enqueue_dma source(%arg5 : memref<125x128xf32, #tpu.memory_space<hbm>>) target(%arg16 : memref<125x128xf32, #tpu.memory_space<vmem>>) target_semaphore(%run_scoped3A : memref<!tpu.dma_semaphore, #tpu.memory_space<semaphore_mem>>)
      tpu.wait_dma2 semaphore(%run_scoped3A : memref<!tpu.dma_semaphore, #tpu.memory_space<semaphore_mem>>) src(%arg5 : memref<125x128xf32, #tpu.memory_space<hbm>>) dst(%arg16 : memref<125x128xf32, #tpu.memory_space<vmem>>)
      tpu.yield
    }) : () -> ()
    %barrier3A = arith.constant 0 : index
    tpu.barrier barrier_id(%barrier3A)
    %add3A_7 = arith.constant 0 : i32
    %add3A_8 = arith.addi %add3A_4, %add3A_7 : i32
    %dma_start3A = arith.constant 0 : i32
    %dma_start3A_9 = arith.constant 0 : i32
    %dma_start3A_10 = tpu.memref_slice %arg3[%add3A_8, %dma_start3A, %dma_start3A_9] : memref<96x1x125xi32, #tpu.memory_space<hbm>> -> memref<1x1x125xi32, #tpu.memory_space<hbm>>
    %dma_start3A_11 = tpu.memref_squeeze %dma_start3A_10 : memref<1x1x125xi32, #tpu.memory_space<hbm>> -> memref<125xi32, #tpu.memory_space<hbm>>
    %dma_start3A_12 = arith.constant 0 : i32
    %dma_start3A_13 = tpu.memref_slice %arg3[%add3A_8, %dma_start3A, %dma_start3A_12] : memref<96x1x125xi32, #tpu.memory_space<hbm>> -> memref<1x1x125xi32, #tpu.memory_space<hbm>>
    %dma_start3A_14 = tpu.memref_squeeze %dma_start3A_13 : memref<1x1x125xi32, #tpu.memory_space<hbm>> -> memref<125xi32, #tpu.memory_space<hbm>>
    tpu.enqueue_dma source(%dma_start3A_14 : memref<125xi32, #tpu.memory_space<hbm>>) target(%arg10 : memref<125xi32, #tpu.memory_space<vmem>>) target_semaphore(%arg19 : memref<!tpu.dma_semaphore, #tpu.memory_space<semaphore_mem>>)
    %dma_start3A_15 = arith.constant 0 : i32
    %dma_start3A_16 = arith.constant 0 : i32
    %dma_start3A_17 = tpu.memref_slice %arg4[%add3A_8, %dma_start3A_15, %dma_start3A_16] : memref<96x1x125xi32, #tpu.memory_space<hbm>> -> memref<1x1x125xi32, #tpu.memory_space<hbm>>
    %dma_start3A_18 = tpu.memref_squeeze %dma_start3A_17 : memref<1x1x125xi32, #tpu.memory_space<hbm>> -> memref<125xi32, #tpu.memory_space<hbm>>
    %dma_start3A_19 = arith.constant 0 : i32
    %dma_start3A_20 = tpu.memref_slice %arg4[%add3A_8, %dma_start3A_15, %dma_start3A_19] : memref<96x1x125xi32, #tpu.memory_space<hbm>> -> memref<1x1x125xi32, #tpu.memory_space<hbm>>
    %dma_start3A_21 = tpu.memref_squeeze %dma_start3A_20 : memref<1x1x125xi32, #tpu.memory_space<hbm>> -> memref<125xi32, #tpu.memory_space<hbm>>
    tpu.enqueue_dma source(%dma_start3A_21 : memref<125xi32, #tpu.memory_space<hbm>>) target(%arg13 : memref<125xi32, #tpu.memory_space<vmem>>) target_semaphore(%arg19 : memref<!tpu.dma_semaphore, #tpu.memory_space<semaphore_mem>>)
    %add3A_22 = arith.constant 1 : i32
    %add3A_23 = arith.addi %add3A_4, %add3A_22 : i32
    %dma_start3A_24 = arith.constant 0 : i32
    %dma_start3A_25 = arith.constant 0 : i32
    %dma_start3A_26 = tpu.memref_slice %arg3[%add3A_23, %dma_start3A_24, %dma_start3A_25] : memref<96x1x125xi32, #tpu.memory_space<hbm>> -> memref<1x1x125xi32, #tpu.memory_space<hbm>>
    %dma_start3A_27 = tpu.memref_squeeze %dma_start3A_26 : memref<1x1x125xi32, #tpu.memory_space<hbm>> -> memref<125xi32, #tpu.memory_space<hbm>>
    %dma_start3A_28 = arith.constant 0 : i32
    %dma_start3A_29 = tpu.memref_slice %arg3[%add3A_23, %dma_start3A_24, %dma_start3A_28] : memref<96x1x125xi32, #tpu.memory_space<hbm>> -> memref<1x1x125xi32, #tpu.memory_space<hbm>>
    %dma_start3A_30 = tpu.memref_squeeze %dma_start3A_29 : memref<1x1x125xi32, #tpu.memory_space<hbm>> -> memref<125xi32, #tpu.memory_space<hbm>>
    tpu.enqueue_dma source(%dma_start3A_30 : memref<125xi32, #tpu.memory_space<hbm>>) target(%arg11 : memref<125xi32, #tpu.memory_space<vmem>>) target_semaphore(%arg19 : memref<!tpu.dma_semaphore, #tpu.memory_space<semaphore_mem>>)
    %dma_start3A_31 = arith.constant 0 : i32
    %dma_start3A_32 = arith.constant 0 : i32
    %dma_start3A_33 = tpu.memref_slice %arg4[%add3A_23, %dma_start3A_31, %dma_start3A_32] : memref<96x1x125xi32, #tpu.memory_space<hbm>> -> memref<1x1x125xi32, #tpu.memory_space<hbm>>
    %dma_start3A_34 = tpu.memref_squeeze %dma_start3A_33 : memref<1x1x125xi32, #tpu.memory_space<hbm>> -> memref<125xi32, #tpu.memory_space<hbm>>
    %dma_start3A_35 = arith.constant 0 : i32
    %dma_start3A_36 = tpu.memref_slice %arg4[%add3A_23, %dma_start3A_31, %dma_start3A_35] : memref<96x1x125xi32, #tpu.memory_space<hbm>> -> memref<1x1x125xi32, #tpu.memory_space<hbm>>
    %dma_start3A_37 = tpu.memref_squeeze %dma_start3A_36 : memref<1x1x125xi32, #tpu.memory_space<hbm>> -> memref<125xi32, #tpu.memory_space<hbm>>
    tpu.enqueue_dma source(%dma_start3A_37 : memref<125xi32, #tpu.memory_space<hbm>>) target(%arg14 : memref<125xi32, #tpu.memory_space<vmem>>) target_semaphore(%arg19 : memref<!tpu.dma_semaphore, #tpu.memory_space<semaphore_mem>>)
    %add3A_38 = arith.constant 2 : i32
    %add3A_39 = arith.addi %add3A_4, %add3A_38 : i32
    %dma_start3A_40 = arith.constant 0 : i32
    %dma_start3A_41 = arith.constant 0 : i32
    %dma_start3A_42 = tpu.memref_slice %arg3[%add3A_39, %dma_start3A_40, %dma_start3A_41] : memref<96x1x125xi32, #tpu.memory_space<hbm>> -> memref<1x1x125xi32, #tpu.memory_space<hbm>>
    %dma_start3A_43 = tpu.memref_squeeze %dma_start3A_42 : memref<1x1x125xi32, #tpu.memory_space<hbm>> -> memref<125xi32, #tpu.memory_space<hbm>>
    %dma_start3A_44 = arith.constant 0 : i32
    %dma_start3A_45 = tpu.memref_slice %arg3[%add3A_39, %dma_start3A_40, %dma_start3A_44] : memref<96x1x125xi32, #tpu.memory_space<hbm>> -> memref<1x1x125xi32, #tpu.memory_space<hbm>>
    %dma_start3A_46 = tpu.memref_squeeze %dma_start3A_45 : memref<1x1x125xi32, #tpu.memory_space<hbm>> -> memref<125xi32, #tpu.memory_space<hbm>>
    tpu.enqueue_dma source(%dma_start3A_46 : memref<125xi32, #tpu.memory_space<hbm>>) target(%arg12 : memref<125xi32, #tpu.memory_space<vmem>>) target_semaphore(%arg19 : memref<!tpu.dma_semaphore, #tpu.memory_space<semaphore_mem>>)
    %dma_start3A_47 = arith.constant 0 : i32
    %dma_start3A_48 = arith.constant 0 : i32
    %dma_start3A_49 = tpu.memref_slice %arg4[%add3A_39, %dma_start3A_47, %dma_start3A_48] : memref<96x1x125xi32, #tpu.memory_space<hbm>> -> memref<1x1x125xi32, #tpu.memory_space<hbm>>
    %dma_start3A_50 = tpu.memref_squeeze %dma_start3A_49 : memref<1x1x125xi32, #tpu.memory_space<hbm>> -> memref<125xi32, #tpu.memory_space<hbm>>
    %dma_start3A_51 = arith.constant 0 : i32
    %dma_start3A_52 = tpu.memref_slice %arg4[%add3A_39, %dma_start3A_47, %dma_start3A_51] : memref<96x1x125xi32, #tpu.memory_space<hbm>> -> memref<1x1x125xi32, #tpu.memory_space<hbm>>
    %dma_start3A_53 = tpu.memref_squeeze %dma_start3A_52 : memref<1x1x125xi32, #tpu.memory_space<hbm>> -> memref<125xi32, #tpu.memory_space<hbm>>
    tpu.enqueue_dma source(%dma_start3A_53 : memref<125xi32, #tpu.memory_space<hbm>>) target(%arg15 : memref<125xi32, #tpu.memory_space<vmem>>) target_semaphore(%arg19 : memref<!tpu.dma_semaphore, #tpu.memory_space<semaphore_mem>>)
    %dma_wait3A = arith.constant 0 : i32
    %dma_wait3A_54 = arith.constant 0 : i32
    %dma_wait3A_55 = tpu.memref_slice %arg3[%add3A_8, %dma_wait3A, %dma_wait3A_54] : memref<96x1x125xi32, #tpu.memory_space<hbm>> -> memref<1x1x125xi32, #tpu.memory_space<hbm>>
    %dma_wait3A_56 = tpu.memref_squeeze %dma_wait3A_55 : memref<1x1x125xi32, #tpu.memory_space<hbm>> -> memref<125xi32, #tpu.memory_space<hbm>>
    %dma_wait3A_57 = arith.constant 0 : i32
    %dma_wait3A_58 = tpu.memref_slice %arg3[%add3A_8, %dma_wait3A, %dma_wait3A_57] : memref<96x1x125xi32, #tpu.memory_space<hbm>> -> memref<1x1x125xi32, #tpu.memory_space<hbm>>
    %dma_wait3A_59 = tpu.memref_squeeze %dma_wait3A_58 : memref<1x1x125xi32, #tpu.memory_space<hbm>> -> memref<125xi32, #tpu.memory_space<hbm>>
    tpu.wait_dma2 semaphore(%arg19 : memref<!tpu.dma_semaphore, #tpu.memory_space<semaphore_mem>>) src(%dma_wait3A_59 : memref<125xi32, #tpu.memory_space<hbm>>) dst(%arg10 : memref<125xi32, #tpu.memory_space<vmem>>)
    %dma_wait3A_60 = arith.constant 0 : i32
    %dma_wait3A_61 = arith.constant 0 : i32
    %dma_wait3A_62 = tpu.memref_slice %arg4[%add3A_8, %dma_wait3A_60, %dma_wait3A_61] : memref<96x1x125xi32, #tpu.memory_space<hbm>> -> memref<1x1x125xi32, #tpu.memory_space<hbm>>
    %dma_wait3A_63 = tpu.memref_squeeze %dma_wait3A_62 : memref<1x1x125xi32, #tpu.memory_space<hbm>> -> memref<125xi32, #tpu.memory_space<hbm>>
    %dma_wait3A_64 = arith.constant 0 : i32
    %dma_wait3A_65 = tpu.memref_slice %arg4[%add3A_8, %dma_wait3A_60, %dma_wait3A_64] : memref<96x1x125xi32, #tpu.memory_space<hbm>> -> memref<1x1x125xi32, #tpu.memory_space<hbm>>
    %dma_wait3A_66 = tpu.memref_squeeze %dma_wait3A_65 : memref<1x1x125xi32, #tpu.memory_space<hbm>> -> memref<125xi32, #tpu.memory_space<hbm>>
    tpu.wait_dma2 semaphore(%arg19 : memref<!tpu.dma_semaphore, #tpu.memory_space<semaphore_mem>>) src(%dma_wait3A_66 : memref<125xi32, #tpu.memory_space<hbm>>) dst(%arg13 : memref<125xi32, #tpu.memory_space<vmem>>)
    %dma_wait3A_67 = arith.constant 0 : i32
    %dma_wait3A_68 = arith.constant 0 : i32
    %dma_wait3A_69 = tpu.memref_slice %arg3[%add3A_23, %dma_wait3A_67, %dma_wait3A_68] : memref<96x1x125xi32, #tpu.memory_space<hbm>> -> memref<1x1x125xi32, #tpu.memory_space<hbm>>
    %dma_wait3A_70 = tpu.memref_squeeze %dma_wait3A_69 : memref<1x1x125xi32, #tpu.memory_space<hbm>> -> memref<125xi32, #tpu.memory_space<hbm>>
    %dma_wait3A_71 = arith.constant 0 : i32
    %dma_wait3A_72 = tpu.memref_slice %arg3[%add3A_23, %dma_wait3A_67, %dma_wait3A_71] : memref<96x1x125xi32, #tpu.memory_space<hbm>> -> memref<1x1x125xi32, #tpu.memory_space<hbm>>
    %dma_wait3A_73 = tpu.memref_squeeze %dma_wait3A_72 : memref<1x1x125xi32, #tpu.memory_space<hbm>> -> memref<125xi32, #tpu.memory_space<hbm>>
    tpu.wait_dma2 semaphore(%arg19 : memref<!tpu.dma_semaphore, #tpu.memory_space<semaphore_mem>>) src(%dma_wait3A_73 : memref<125xi32, #tpu.memory_space<hbm>>) dst(%arg11 : memref<125xi32, #tpu.memory_space<vmem>>)
    %dma_wait3A_74 = arith.constant 0 : i32
    %dma_wait3A_75 = arith.constant 0 : i32
    %dma_wait3A_76 = tpu.memref_slice %arg4[%add3A_23, %dma_wait3A_74, %dma_wait3A_75] : memref<96x1x125xi32, #tpu.memory_space<hbm>> -> memref<1x1x125xi32, #tpu.memory_space<hbm>>
    %dma_wait3A_77 = tpu.memref_squeeze %dma_wait3A_76 : memref<1x1x125xi32, #tpu.memory_space<hbm>> -> memref<125xi32, #tpu.memory_space<hbm>>
    %dma_wait3A_78 = arith.constant 0 : i32
    %dma_wait3A_79 = tpu.memref_slice %arg4[%add3A_23, %dma_wait3A_74, %dma_wait3A_78] : memref<96x1x125xi32, #tpu.memory_space<hbm>> -> memref<1x1x125xi32, #tpu.memory_space<hbm>>
    %dma_wait3A_80 = tpu.memref_squeeze %dma_wait3A_79 : memref<1x1x125xi32, #tpu.memory_space<hbm>> -> memref<125xi32, #tpu.memory_space<hbm>>
    tpu.wait_dma2 semaphore(%arg19 : memref<!tpu.dma_semaphore, #tpu.memory_space<semaphore_mem>>) src(%dma_wait3A_80 : memref<125xi32, #tpu.memory_space<hbm>>) dst(%arg14 : memref<125xi32, #tpu.memory_space<vmem>>)
    %dma_wait3A_81 = arith.constant 0 : i32
    %dma_wait3A_82 = arith.constant 0 : i32
    %dma_wait3A_83 = tpu.memref_slice %arg3[%add3A_39, %dma_wait3A_81, %dma_wait3A_82] : memref<96x1x125xi32, #tpu.memory_space<hbm>> -> memref<1x1x125xi32, #tpu.memory_space<hbm>>
    %dma_wait3A_84 = tpu.memref_squeeze %dma_wait3A_83 : memref<1x1x125xi32, #tpu.memory_space<hbm>> -> memref<125xi32, #tpu.memory_space<hbm>>
    %dma_wait3A_85 = arith.constant 0 : i32
    %dma_wait3A_86 = tpu.memref_slice %arg3[%add3A_39, %dma_wait3A_81, %dma_wait3A_85] : memref<96x1x125xi32, #tpu.memory_space<hbm>> -> memref<1x1x125xi32, #tpu.memory_space<hbm>>
    %dma_wait3A_87 = tpu.memref_squeeze %dma_wait3A_86 : memref<1x1x125xi32, #tpu.memory_space<hbm>> -> memref<125xi32, #tpu.memory_space<hbm>>
    tpu.wait_dma2 semaphore(%arg19 : memref<!tpu.dma_semaphore, #tpu.memory_space<semaphore_mem>>) src(%dma_wait3A_87 : memref<125xi32, #tpu.memory_space<hbm>>) dst(%arg12 : memref<125xi32, #tpu.memory_space<vmem>>)
    %dma_wait3A_88 = arith.constant 0 : i32
    %dma_wait3A_89 = arith.constant 0 : i32
    %dma_wait3A_90 = tpu.memref_slice %arg4[%add3A_39, %dma_wait3A_88, %dma_wait3A_89] : memref<96x1x125xi32, #tpu.memory_space<hbm>> -> memref<1x1x125xi32, #tpu.memory_space<hbm>>
    %dma_wait3A_91 = tpu.memref_squeeze %dma_wait3A_90 : memref<1x1x125xi32, #tpu.memory_space<hbm>> -> memref<125xi32, #tpu.memory_space<hbm>>
    %dma_wait3A_92 = arith.constant 0 : i32
    %dma_wait3A_93 = tpu.memref_slice %arg4[%add3A_39, %dma_wait3A_88, %dma_wait3A_92] : memref<96x1x125xi32, #tpu.memory_space<hbm>> -> memref<1x1x125xi32, #tpu.memory_space<hbm>>
    %dma_wait3A_94 = tpu.memref_squeeze %dma_wait3A_93 : memref<1x1x125xi32, #tpu.memory_space<hbm>> -> memref<125xi32, #tpu.memory_space<hbm>>
    tpu.wait_dma2 semaphore(%arg19 : memref<!tpu.dma_semaphore, #tpu.memory_space<semaphore_mem>>) src(%dma_wait3A_94 : memref<125xi32, #tpu.memory_space<hbm>>) dst(%arg15 : memref<125xi32, #tpu.memory_space<vmem>>)
    %dma_start3A_95 = arith.constant 0 : i32
    %dma_start3A_96 = arith.constant 0 : i32
    %dma_start3A_97 = arith.constant 0 : i32
    %dma_start3A_98 = tpu.memref_slice %arg9[%dma_start3A_95, %dma_start3A_96, %dma_start3A_97] : memref<3x125x128xf32, #tpu.memory_space<vmem>> -> memref<1x125x128xf32, #tpu.memory_space<vmem>>
    %dma_start3A_99 = tpu.memref_squeeze %dma_start3A_98 : memref<1x125x128xf32, #tpu.memory_space<vmem>> -> memref<125x128xf32, #tpu.memory_space<vmem>>
    %dma_start3A_100 = arith.constant 0 : i32
    %dma_start3A_101 = arith.constant 0 : i32
    %dma_start3A_102 = tpu.memref_slice %arg2[%dma_start3A_100, %dma_start3A_101] : memref<100000x128xf32, #tpu.memory_space<hbm>> -> memref<100000x128xf32, #tpu.memory_space<hbm>>
    tpu.enqueue_indirect_dma source(%dma_start3A_102 : memref<100000x128xf32, #tpu.memory_space<hbm>>) target(%dma_start3A_99 : memref<125x128xf32, #tpu.memory_space<vmem>>) offsets(%arg13 : memref<125xi32, #tpu.memory_space<vmem>>) semaphore(%arg19 : memref<!tpu.dma_semaphore, #tpu.memory_space<semaphore_mem>>)
    %dma_start3A_103 = arith.constant 1 : i32
    %dma_start3A_104 = arith.constant 0 : i32
    %dma_start3A_105 = arith.constant 0 : i32
    %dma_start3A_106 = tpu.memref_slice %arg9[%dma_start3A_103, %dma_start3A_104, %dma_start3A_105] : memref<3x125x128xf32, #tpu.memory_space<vmem>> -> memref<1x125x128xf32, #tpu.memory_space<vmem>>
    %dma_start3A_107 = tpu.memref_squeeze %dma_start3A_106 : memref<1x125x128xf32, #tpu.memory_space<vmem>> -> memref<125x128xf32, #tpu.memory_space<vmem>>
    %dma_start3A_108 = arith.constant 0 : i32
    %dma_start3A_109 = arith.constant 0 : i32
    %dma_start3A_110 = tpu.memref_slice %arg2[%dma_start3A_108, %dma_start3A_109] : memref<100000x128xf32, #tpu.memory_space<hbm>> -> memref<100000x128xf32, #tpu.memory_space<hbm>>
    tpu.enqueue_indirect_dma source(%dma_start3A_110 : memref<100000x128xf32, #tpu.memory_space<hbm>>) target(%dma_start3A_107 : memref<125x128xf32, #tpu.memory_space<vmem>>) offsets(%arg14 : memref<125xi32, #tpu.memory_space<vmem>>) semaphore(%arg19 : memref<!tpu.dma_semaphore, #tpu.memory_space<semaphore_mem>>)
    %dma_start3A_111 = arith.constant 2 : i32
    %dma_start3A_112 = arith.constant 0 : i32
    %dma_start3A_113 = arith.constant 0 : i32
    %dma_start3A_114 = tpu.memref_slice %arg9[%dma_start3A_111, %dma_start3A_112, %dma_start3A_113] : memref<3x125x128xf32, #tpu.memory_space<vmem>> -> memref<1x125x128xf32, #tpu.memory_space<vmem>>
    %dma_start3A_115 = tpu.memref_squeeze %dma_start3A_114 : memref<1x125x128xf32, #tpu.memory_space<vmem>> -> memref<125x128xf32, #tpu.memory_space<vmem>>
    %dma_start3A_116 = arith.constant 0 : i32
    %dma_start3A_117 = arith.constant 0 : i32
    %dma_start3A_118 = tpu.memref_slice %arg2[%dma_start3A_116, %dma_start3A_117] : memref<100000x128xf32, #tpu.memory_space<hbm>> -> memref<100000x128xf32, #tpu.memory_space<hbm>>
    tpu.enqueue_indirect_dma source(%dma_start3A_118 : memref<100000x128xf32, #tpu.memory_space<hbm>>) target(%dma_start3A_115 : memref<125x128xf32, #tpu.memory_space<vmem>>) offsets(%arg15 : memref<125xi32, #tpu.memory_space<vmem>>) semaphore(%arg19 : memref<!tpu.dma_semaphore, #tpu.memory_space<semaphore_mem>>)
    %dma_wait3A_119 = arith.constant 0 : i32
    %dma_wait3A_120 = arith.constant 0 : i32
    %dma_wait3A_121 = arith.constant 0 : i32
    %dma_wait3A_122 = tpu.memref_slice %arg9[%dma_wait3A_119, %dma_wait3A_120, %dma_wait3A_121] : memref<3x125x128xf32, #tpu.memory_space<vmem>> -> memref<1x125x128xf32, #tpu.memory_space<vmem>>
    %dma_wait3A_123 = tpu.memref_squeeze %dma_wait3A_122 : memref<1x125x128xf32, #tpu.memory_space<vmem>> -> memref<125x128xf32, #tpu.memory_space<vmem>>
    %dma_wait3A_124 = arith.constant 0 : i32
    %dma_wait3A_125 = arith.constant 0 : i32
    %dma_wait3A_126 = tpu.memref_slice %arg2[%dma_wait3A_124, %dma_wait3A_125] : memref<100000x128xf32, #tpu.memory_space<hbm>> -> memref<100000x128xf32, #tpu.memory_space<hbm>>
    tpu.wait_indirect_dma semaphore(%arg19 : memref<!tpu.dma_semaphore, #tpu.memory_space<semaphore_mem>>) src(%dma_wait3A_126 : memref<100000x128xf32, #tpu.memory_space<hbm>>) dst(%dma_wait3A_123 : memref<125x128xf32, #tpu.memory_space<vmem>>)
    %dma_start3A_127 = arith.constant 0 : i32
    %dma_start3A_128 = arith.constant 0 : i32
    %dma_start3A_129 = arith.constant 0 : i32
    %dma_start3A_130 = tpu.memref_slice %arg9[%dma_start3A_127, %dma_start3A_128, %dma_start3A_129] : memref<3x125x128xf32, #tpu.memory_space<vmem>> -> memref<1x125x128xf32, #tpu.memory_space<vmem>>
    %dma_start3A_131 = tpu.memref_squeeze %dma_start3A_130 : memref<1x125x128xf32, #tpu.memory_space<vmem>> -> memref<125x128xf32, #tpu.memory_space<vmem>>
    %dma_start3A_132 = arith.constant 0 : i32
    %dma_start3A_133 = arith.constant 0 : i32
    %dma_start3A_134 = tpu.memref_slice %arg17[%dma_start3A_132, %dma_start3A_133] : memref<512x128xf32, #tpu.memory_space<vmem_shared>> -> memref<512x128xf32, #tpu.memory_space<vmem_shared>>
    tpu.enqueue_indirect_dma source(%dma_start3A_131 : memref<125x128xf32, #tpu.memory_space<vmem>>) target(%dma_start3A_134 : memref<512x128xf32, #tpu.memory_space<vmem_shared>>) offsets(%arg10 : memref<125xi32, #tpu.memory_space<vmem>>) semaphore(%arg20 : memref<!tpu.dma_semaphore, #tpu.memory_space<semaphore_mem>>) {add = true}
    %dma_start3A_135 = arith.constant 0 : i32
    %dma_start3A_136 = arith.constant 0 : i32
    %dma_start3A_137 = tpu.memref_slice %arg18[%dma_start3A_135, %dma_start3A_136] : memref<512x128xf32, #tpu.memory_space<vmem_shared>> -> memref<512x128xf32, #tpu.memory_space<vmem_shared>>
    tpu.enqueue_indirect_dma source(%arg16 : memref<125x128xf32, #tpu.memory_space<vmem>>) target(%dma_start3A_137 : memref<512x128xf32, #tpu.memory_space<vmem_shared>>) offsets(%arg10 : memref<125xi32, #tpu.memory_space<vmem>>) semaphore(%arg20 : memref<!tpu.dma_semaphore, #tpu.memory_space<semaphore_mem>>) {add = true}
    %dma_wait3A_138 = arith.constant 1 : i32
    %dma_wait3A_139 = arith.constant 0 : i32
    %dma_wait3A_140 = arith.constant 0 : i32
    %dma_wait3A_141 = tpu.memref_slice %arg9[%dma_wait3A_138, %dma_wait3A_139, %dma_wait3A_140] : memref<3x125x128xf32, #tpu.memory_space<vmem>> -> memref<1x125x128xf32, #tpu.memory_space<vmem>>
    %dma_wait3A_142 = tpu.memref_squeeze %dma_wait3A_141 : memref<1x125x128xf32, #tpu.memory_space<vmem>> -> memref<125x128xf32, #tpu.memory_space<vmem>>
    %dma_wait3A_143 = arith.constant 0 : i32
    %dma_wait3A_144 = arith.constant 0 : i32
    %dma_wait3A_145 = tpu.memref_slice %arg2[%dma_wait3A_143, %dma_wait3A_144] : memref<100000x128xf32, #tpu.memory_space<hbm>> -> memref<100000x128xf32, #tpu.memory_space<hbm>>
    tpu.wait_indirect_dma semaphore(%arg19 : memref<!tpu.dma_semaphore, #tpu.memory_space<semaphore_mem>>) src(%dma_wait3A_145 : memref<100000x128xf32, #tpu.memory_space<hbm>>) dst(%dma_wait3A_142 : memref<125x128xf32, #tpu.memory_space<vmem>>)
    %dma_start3A_146 = arith.constant 1 : i32
    %dma_start3A_147 = arith.constant 0 : i32
    %dma_start3A_148 = arith.constant 0 : i32
    %dma_start3A_149 = tpu.memref_slice %arg9[%dma_start3A_146, %dma_start3A_147, %dma_start3A_148] : memref<3x125x128xf32, #tpu.memory_space<vmem>> -> memref<1x125x128xf32, #tpu.memory_space<vmem>>
    %dma_start3A_150 = tpu.memref_squeeze %dma_start3A_149 : memref<1x125x128xf32, #tpu.memory_space<vmem>> -> memref<125x128xf32, #tpu.memory_space<vmem>>
    %dma_start3A_151 = arith.constant 0 : i32
    %dma_start3A_152 = arith.constant 0 : i32
    %dma_start3A_153 = tpu.memref_slice %arg17[%dma_start3A_151, %dma_start3A_152] : memref<512x128xf32, #tpu.memory_space<vmem_shared>> -> memref<512x128xf32, #tpu.memory_space<vmem_shared>>
    tpu.enqueue_indirect_dma source(%dma_start3A_150 : memref<125x128xf32, #tpu.memory_space<vmem>>) target(%dma_start3A_153 : memref<512x128xf32, #tpu.memory_space<vmem_shared>>) offsets(%arg11 : memref<125xi32, #tpu.memory_space<vmem>>) semaphore(%arg20 : memref<!tpu.dma_semaphore, #tpu.memory_space<semaphore_mem>>) {add = true}
    %dma_start3A_154 = arith.constant 0 : i32
    %dma_start3A_155 = arith.constant 0 : i32
    %dma_start3A_156 = tpu.memref_slice %arg18[%dma_start3A_154, %dma_start3A_155] : memref<512x128xf32, #tpu.memory_space<vmem_shared>> -> memref<512x128xf32, #tpu.memory_space<vmem_shared>>
    tpu.enqueue_indirect_dma source(%arg16 : memref<125x128xf32, #tpu.memory_space<vmem>>) target(%dma_start3A_156 : memref<512x128xf32, #tpu.memory_space<vmem_shared>>) offsets(%arg11 : memref<125xi32, #tpu.memory_space<vmem>>) semaphore(%arg20 : memref<!tpu.dma_semaphore, #tpu.memory_space<semaphore_mem>>) {add = true}
    %dma_wait3A_157 = arith.constant 2 : i32
    %dma_wait3A_158 = arith.constant 0 : i32
    %dma_wait3A_159 = arith.constant 0 : i32
    %dma_wait3A_160 = tpu.memref_slice %arg9[%dma_wait3A_157, %dma_wait3A_158, %dma_wait3A_159] : memref<3x125x128xf32, #tpu.memory_space<vmem>> -> memref<1x125x128xf32, #tpu.memory_space<vmem>>
    %dma_wait3A_161 = tpu.memref_squeeze %dma_wait3A_160 : memref<1x125x128xf32, #tpu.memory_space<vmem>> -> memref<125x128xf32, #tpu.memory_space<vmem>>
    %dma_wait3A_162 = arith.constant 0 : i32
    %dma_wait3A_163 = arith.constant 0 : i32
    %dma_wait3A_164 = tpu.memref_slice %arg2[%dma_wait3A_162, %dma_wait3A_163] : memref<100000x128xf32, #tpu.memory_space<hbm>> -> memref<100000x128xf32, #tpu.memory_space<hbm>>
    tpu.wait_indirect_dma semaphore(%arg19 : memref<!tpu.dma_semaphore, #tpu.memory_space<semaphore_mem>>) src(%dma_wait3A_164 : memref<100000x128xf32, #tpu.memory_space<hbm>>) dst(%dma_wait3A_161 : memref<125x128xf32, #tpu.memory_space<vmem>>)
    %dma_start3A_165 = arith.constant 2 : i32
    %dma_start3A_166 = arith.constant 0 : i32
    %dma_start3A_167 = arith.constant 0 : i32
    %dma_start3A_168 = tpu.memref_slice %arg9[%dma_start3A_165, %dma_start3A_166, %dma_start3A_167] : memref<3x125x128xf32, #tpu.memory_space<vmem>> -> memref<1x125x128xf32, #tpu.memory_space<vmem>>
    %dma_start3A_169 = tpu.memref_squeeze %dma_start3A_168 : memref<1x125x128xf32, #tpu.memory_space<vmem>> -> memref<125x128xf32, #tpu.memory_space<vmem>>
    %dma_start3A_170 = arith.constant 0 : i32
    %dma_start3A_171 = arith.constant 0 : i32
    %dma_start3A_172 = tpu.memref_slice %arg17[%dma_start3A_170, %dma_start3A_171] : memref<512x128xf32, #tpu.memory_space<vmem_shared>> -> memref<512x128xf32, #tpu.memory_space<vmem_shared>>
    tpu.enqueue_indirect_dma source(%dma_start3A_169 : memref<125x128xf32, #tpu.memory_space<vmem>>) target(%dma_start3A_172 : memref<512x128xf32, #tpu.memory_space<vmem_shared>>) offsets(%arg12 : memref<125xi32, #tpu.memory_space<vmem>>) semaphore(%arg20 : memref<!tpu.dma_semaphore, #tpu.memory_space<semaphore_mem>>) {add = true}
    %dma_start3A_173 = arith.constant 0 : i32
    %dma_start3A_174 = arith.constant 0 : i32
    %dma_start3A_175 = tpu.memref_slice %arg18[%dma_start3A_173, %dma_start3A_174] : memref<512x128xf32, #tpu.memory_space<vmem_shared>> -> memref<512x128xf32, #tpu.memory_space<vmem_shared>>
    tpu.enqueue_indirect_dma source(%arg16 : memref<125x128xf32, #tpu.memory_space<vmem>>) target(%dma_start3A_175 : memref<512x128xf32, #tpu.memory_space<vmem_shared>>) offsets(%arg12 : memref<125xi32, #tpu.memory_space<vmem>>) semaphore(%arg20 : memref<!tpu.dma_semaphore, #tpu.memory_space<semaphore_mem>>) {add = true}
    %dma_wait3A_176 = arith.constant 0 : i32
    %dma_wait3A_177 = arith.constant 0 : i32
    %dma_wait3A_178 = arith.constant 0 : i32
    %dma_wait3A_179 = tpu.memref_slice %arg9[%dma_wait3A_176, %dma_wait3A_177, %dma_wait3A_178] : memref<3x125x128xf32, #tpu.memory_space<vmem>> -> memref<1x125x128xf32, #tpu.memory_space<vmem>>
    %dma_wait3A_180 = tpu.memref_squeeze %dma_wait3A_179 : memref<1x125x128xf32, #tpu.memory_space<vmem>> -> memref<125x128xf32, #tpu.memory_space<vmem>>
    %dma_wait3A_181 = arith.constant 0 : i32
    %dma_wait3A_182 = arith.constant 0 : i32
    %dma_wait3A_183 = tpu.memref_slice %arg17[%dma_wait3A_181, %dma_wait3A_182] : memref<512x128xf32, #tpu.memory_space<vmem_shared>> -> memref<512x128xf32, #tpu.memory_space<vmem_shared>>
    tpu.wait_indirect_dma semaphore(%arg20 : memref<!tpu.dma_semaphore, #tpu.memory_space<semaphore_mem>>) src(%dma_wait3A_180 : memref<125x128xf32, #tpu.memory_space<vmem>>) dst(%dma_wait3A_183 : memref<512x128xf32, #tpu.memory_space<vmem_shared>>)
    %dma_wait3A_184 = arith.constant 0 : i32
    %dma_wait3A_185 = arith.constant 0 : i32
    %dma_wait3A_186 = tpu.memref_slice %arg18[%dma_wait3A_184, %dma_wait3A_185] : memref<512x128xf32, #tpu.memory_space<vmem_shared>> -> memref<512x128xf32, #tpu.memory_space<vmem_shared>>
    tpu.wait_indirect_dma semaphore(%arg20 : memref<!tpu.dma_semaphore, #tpu.memory_space<semaphore_mem>>) src(%arg16 : memref<125x128xf32, #tpu.memory_space<vmem>>) dst(%dma_wait3A_186 : memref<512x128xf32, #tpu.memory_space<vmem_shared>>)
    %dma_wait3A_187 = arith.constant 1 : i32
    %dma_wait3A_188 = arith.constant 0 : i32
    %dma_wait3A_189 = arith.constant 0 : i32
    %dma_wait3A_190 = tpu.memref_slice %arg9[%dma_wait3A_187, %dma_wait3A_188, %dma_wait3A_189] : memref<3x125x128xf32, #tpu.memory_space<vmem>> -> memref<1x125x128xf32, #tpu.memory_space<vmem>>
    %dma_wait3A_191 = tpu.memref_squeeze %dma_wait3A_190 : memref<1x125x128xf32, #tpu.memory_space<vmem>> -> memref<125x128xf32, #tpu.memory_space<vmem>>
    %dma_wait3A_192 = arith.constant 0 : i32
    %dma_wait3A_193 = arith.constant 0 : i32
    %dma_wait3A_194 = tpu.memref_slice %arg17[%dma_wait3A_192, %dma_wait3A_193] : memref<512x128xf32, #tpu.memory_space<vmem_shared>> -> memref<512x128xf32, #tpu.memory_space<vmem_shared>>
    tpu.wait_indirect_dma semaphore(%arg20 : memref<!tpu.dma_semaphore, #tpu.memory_space<semaphore_mem>>) src(%dma_wait3A_191 : memref<125x128xf32, #tpu.memory_space<vmem>>) dst(%dma_wait3A_194 : memref<512x128xf32, #tpu.memory_space<vmem_shared>>)
    %dma_wait3A_195 = arith.constant 0 : i32
    %dma_wait3A_196 = arith.constant 0 : i32
    %dma_wait3A_197 = tpu.memref_slice %arg18[%dma_wait3A_195, %dma_wait3A_196] : memref<512x128xf32, #tpu.memory_space<vmem_shared>> -> memref<512x128xf32, #tpu.memory_space<vmem_shared>>
    tpu.wait_indirect_dma semaphore(%arg20 : memref<!tpu.dma_semaphore, #tpu.memory_space<semaphore_mem>>) src(%arg16 : memref<125x128xf32, #tpu.memory_space<vmem>>) dst(%dma_wait3A_197 : memref<512x128xf32, #tpu.memory_space<vmem_shared>>)
    %dma_wait3A_198 = arith.constant 2 : i32
    %dma_wait3A_199 = arith.constant 0 : i32
    %dma_wait3A_200 = arith.constant 0 : i32
    %dma_wait3A_201 = tpu.memref_slice %arg9[%dma_wait3A_198, %dma_wait3A_199, %dma_wait3A_200] : memref<3x125x128xf32, #tpu.memory_space<vmem>> -> memref<1x125x128xf32, #tpu.memory_space<vmem>>
    %dma_wait3A_202 = tpu.memref_squeeze %dma_wait3A_201 : memref<1x125x128xf32, #tpu.memory_space<vmem>> -> memref<125x128xf32, #tpu.memory_space<vmem>>
    %dma_wait3A_203 = arith.constant 0 : i32
    %dma_wait3A_204 = arith.constant 0 : i32
    %dma_wait3A_205 = tpu.memref_slice %arg17[%dma_wait3A_203, %dma_wait3A_204] : memref<512x128xf32, #tpu.memory_space<vmem_shared>> -> memref<512x128xf32, #tpu.memory_space<vmem_shared>>
    tpu.wait_indirect_dma semaphore(%arg20 : memref<!tpu.dma_semaphore, #tpu.memory_space<semaphore_mem>>) src(%dma_wait3A_202 : memref<125x128xf32, #tpu.memory_space<vmem>>) dst(%dma_wait3A_205 : memref<512x128xf32, #tpu.memory_space<vmem_shared>>)
    %dma_wait3A_206 = arith.constant 0 : i32
    %dma_wait3A_207 = arith.constant 0 : i32
    %dma_wait3A_208 = tpu.memref_slice %arg18[%dma_wait3A_206, %dma_wait3A_207] : memref<512x128xf32, #tpu.memory_space<vmem_shared>> -> memref<512x128xf32, #tpu.memory_space<vmem_shared>>
    tpu.wait_indirect_dma semaphore(%arg20 : memref<!tpu.dma_semaphore, #tpu.memory_space<semaphore_mem>>) src(%arg16 : memref<125x128xf32, #tpu.memory_space<vmem>>) dst(%dma_wait3A_208 : memref<512x128xf32, #tpu.memory_space<vmem_shared>>)
    %barrier3A_209 = arith.constant 0 : index
    tpu.barrier barrier_id(%barrier3A_209)
    %eq3A_210 = arith.constant 0 : i32
    %eq3A_211 = arith.cmpi eq, %arg1, %eq3A_210 : i32
    %convert_element_type3A_212 = arith.extui %eq3A_211 : i1 to i32
    %cond3A_213 = arith.constant 0 : i32
    %cond3A_214 = arith.cmpi ne, %convert_element_type3A_212, %cond3A_213 : i32
    scf.if %cond3A_214 {
      "tpu.region"() ({
        %run_scoped3A = tpu.sem_alloc : memref<!tpu.dma_semaphore, #tpu.memory_space<semaphore_mem>>
        %dma_start3A_215 = arith.constant 0 : i32
        %dma_start3A_216 = arith.constant 0 : i32
        %dma_start3A_217 = tpu.memref_slice %arg7[%arg0, %dma_start3A_215, %dma_start3A_216] : memref<2x512x128xf32, #tpu.memory_space<hbm>> -> memref<1x512x128xf32, #tpu.memory_space<hbm>>
        %dma_start3A_218 = tpu.memref_squeeze %dma_start3A_217 : memref<1x512x128xf32, #tpu.memory_space<hbm>> -> memref<512x128xf32, #tpu.memory_space<hbm>>
        tpu.enqueue_dma source(%arg17 : memref<512x128xf32, #tpu.memory_space<vmem_shared>>) target(%dma_start3A_218 : memref<512x128xf32, #tpu.memory_space<hbm>>) target_semaphore(%run_scoped3A : memref<!tpu.dma_semaphore, #tpu.memory_space<semaphore_mem>>)
        %dma_wait3A_219 = arith.constant 0 : i32
        %dma_wait3A_220 = arith.constant 0 : i32
        %dma_wait3A_221 = tpu.memref_slice %arg7[%arg0, %dma_wait3A_219, %dma_wait3A_220] : memref<2x512x128xf32, #tpu.memory_space<hbm>> -> memref<1x512x128xf32, #tpu.memory_space<hbm>>
        %dma_wait3A_222 = tpu.memref_squeeze %dma_wait3A_221 : memref<1x512x128xf32, #tpu.memory_space<hbm>> -> memref<512x128xf32, #tpu.memory_space<hbm>>
        tpu.wait_dma2 semaphore(%run_scoped3A : memref<!tpu.dma_semaphore, #tpu.memory_space<semaphore_mem>>) src(%arg17 : memref<512x128xf32, #tpu.memory_space<vmem_shared>>) dst(%dma_wait3A_222 : memref<512x128xf32, #tpu.memory_space<hbm>>)
        tpu.yield
      }) : () -> ()
      "tpu.region"() ({
        %run_scoped3A = tpu.sem_alloc : memref<!tpu.dma_semaphore, #tpu.memory_space<semaphore_mem>>
        %dma_start3A_215 = arith.constant 0 : i32
        %dma_start3A_216 = arith.constant 0 : i32
        %dma_start3A_217 = tpu.memref_slice %arg8[%arg0, %dma_start3A_215, %dma_start3A_216] : memref<2x512x128xf32, #tpu.memory_space<hbm>> -> memref<1x512x128xf32, #tpu.memory_space<hbm>>
        %dma_start3A_218 = tpu.memref_squeeze %dma_start3A_217 : memref<1x512x128xf32, #tpu.memory_space<hbm>> -> memref<512x128xf32, #tpu.memory_space<hbm>>
        tpu.enqueue_dma source(%arg18 : memref<512x128xf32, #tpu.memory_space<vmem_shared>>) target(%dma_start3A_218 : memref<512x128xf32, #tpu.memory_space<hbm>>) target_semaphore(%run_scoped3A : memref<!tpu.dma_semaphore, #tpu.memory_space<semaphore_mem>>)
        %dma_wait3A_219 = arith.constant 0 : i32
        %dma_wait3A_220 = arith.constant 0 : i32
        %dma_wait3A_221 = tpu.memref_slice %arg8[%arg0, %dma_wait3A_219, %dma_wait3A_220] : memref<2x512x128xf32, #tpu.memory_space<hbm>> -> memref<1x512x128xf32, #tpu.memory_space<hbm>>
        %dma_wait3A_222 = tpu.memref_squeeze %dma_wait3A_221 : memref<1x512x128xf32, #tpu.memory_space<hbm>> -> memref<512x128xf32, #tpu.memory_space<hbm>>
        tpu.wait_dma2 semaphore(%run_scoped3A : memref<!tpu.dma_semaphore, #tpu.memory_space<semaphore_mem>>) src(%arg18 : memref<512x128xf32, #tpu.memory_space<vmem_shared>>) dst(%dma_wait3A_222 : memref<512x128xf32, #tpu.memory_space<hbm>>)
        tpu.yield
      }) : () -> ()
    } else {
    }
    return
  }
}

module attributes {stable_mosaic.version = 14 : i64} {
  func.func @_tc_body(%arg0: i32, %arg1: memref<4000x128xf32, #tpu.memory_space<vmem>>, %arg2: memref<1x1x4000xi32, #tpu.memory_space<vmem>>, %arg3: memref<128x16xf32, #tpu.memory_space<vmem>>, %arg4: memref<512x16xf32, #tpu.memory_space<vmem>>) attributes {dimension_semantics = [#tpu.dimension_semantics<arbitrary>], iteration_bounds = array<i64: 22>, scalar_prefetch = 0 : i64, scratch_operands = 0 : i64, tpu.core_type = #tpu.core_type<tc>, window_params = [{transform_indices = @transform_0, window_bounds = array<i64: 4000, 128>}, {transform_indices = @transform_1, window_bounds = array<i64: 1, 1, 4000>}, {pipeline_mode = #tpu.pipeline_mode<synchronous>, transform_indices = @transform_2, window_bounds = array<i64: 128, 16>}, {pipeline_mode = #tpu.pipeline_mode<synchronous>, transform_indices = @transform_3, window_bounds = array<i64: 512, 16>}]} {
    %eq3A = arith.constant 0 : i32
    %eq3A_0 = arith.cmpi eq, %arg0, %eq3A : i32
    %convert_element_type3A = arith.extui %eq3A_0 : i1 to i32
    %cond3A = arith.constant 0 : i32
    %cond3A_1 = arith.cmpi ne, %convert_element_type3A, %cond3A : i32
    scf.if %cond3A_1 {
      %broadcast_in_dim3A_48 = arith.constant 0.000000e+00 : f32
      %broadcast_in_dim3A_49 = vector.broadcast %broadcast_in_dim3A_48 : f32 to vector<512x16xf32>
      %swap3A = arith.constant 0 : index
      %swap3A_50 = arith.constant 0 : index
      %swap3A_51 = vector.load %arg4[%swap3A, %swap3A_50] : memref<512x16xf32, #tpu.memory_space<vmem>>, vector<512x16xf32>
      tpu.vector_store %arg4[%swap3A, %swap3A_50], %broadcast_in_dim3A_49 {strides = array<i32>} : memref<512x16xf32, #tpu.memory_space<vmem>>, vector<512x16xf32>,
    } else {
    }
    %get3A = arith.constant 0 : index
    %get3A_2 = arith.constant 0 : index
    %get3A_3 = vector.load %arg1[%get3A, %get3A_2] : memref<4000x128xf32, #tpu.memory_space<vmem>>, vector<4000x128xf32>
    %get3A_4 = arith.constant 0 : index
    %get3A_5 = arith.constant 0 : index
    %get3A_6 = vector.load %arg3[%get3A_4, %get3A_5] : memref<128x16xf32, #tpu.memory_space<vmem>>, vector<128x16xf32>
    %dot_general3A = arith.constant dense<0.000000e+00> : vector<4000x16xf32>
    %dot_general3A_7 = tpu.matmul %get3A_3, %get3A_6, %dot_general3A {dimension_numbers = #tpu.dot_dimension_numbers<[1], [0], [0], [1], [0, 0, 1, 1], [], []>, transpose_lhs_hint = false} : vector<4000x128xf32>, vector<128x16xf32>, vector<4000x16xf32> -> vector<4000x16xf32>
    %iota3A = tpu.iota {dimensions = array<i32: 1>} : vector<4000x16xi32>
    %eq3A_8 = arith.constant 10 : i32
    %eq3A_9 = vector.broadcast %eq3A_8 : i32 to vector<4000x16xi32>
    %eq3A_10 = arith.cmpi eq, %iota3A, %eq3A_9 : vector<4000x16xi32>
    %jit3A = arith.constant 1.000000e+00 : f32
    %broadcast_in_dim3A = vector.broadcast %jit3A : f32 to vector<4000x16xf32>
    %select_n3A = arith.select %eq3A_10, %broadcast_in_dim3A, %dot_general3A_7 : vector<4000x16xi1>, vector<4000x16xf32>
    %get3A_11 = arith.constant 0 : index
    %get3A_12 = arith.constant 0 : index
    %get3A_13 = arith.constant 0 : index
    %get3A_14 = vector.load %arg2[%get3A_11, %get3A_12, %get3A_13] : memref<1x1x4000xi32, #tpu.memory_space<vmem>>, vector<1x1x4000xi32>
    %get3A_15 = vector.shape_cast %get3A_14 : vector<1x1x4000xi32> to vector<4000xi32>
    %convert_element_type3A_16 = arith.truncf %select_n3A : vector<4000x16xf32> to vector<4000x16xbf16>
    %slice3A = vector.extract_strided_slice %get3A_15 {offsets = [0], sizes = [1], strides = [1]} : vector<4000xi32> to vector<1xi32>
    %squeeze3A = vector.extract %slice3A[0] : i32 from vector<1xi32>
    %jit3A_17 = arith.constant 8 : i32
    %div3A = arith.divsi %squeeze3A, %jit3A_17 : i32
    %sign3A = arith.constant 0 : i32
    %sign3A_18 = arith.cmpi sgt, %squeeze3A, %sign3A : i32
    %sign3A_19 = arith.extui %sign3A_18 : i1 to i32
    %sign3A_20 = arith.constant 0 : i32
    %sign3A_21 = arith.cmpi slt, %squeeze3A, %sign3A_20 : i32
    %sign3A_22 = arith.extui %sign3A_21 : i1 to i32
    %sign3A_23 = arith.subi %sign3A_19, %sign3A_22 : i32
    %sign3A_24 = arith.constant 0 : i32
    %sign3A_25 = arith.cmpi sgt, %jit3A_17, %sign3A_24 : i32
    %sign3A_26 = arith.extui %sign3A_25 : i1 to i32
    %sign3A_27 = arith.constant 0 : i32
    %sign3A_28 = arith.cmpi slt, %jit3A_17, %sign3A_27 : i32
    %sign3A_29 = arith.extui %sign3A_28 : i1 to i32
    %sign3A_30 = arith.subi %sign3A_26, %sign3A_29 : i32
    %ne3A = arith.cmpi ne, %sign3A_23, %sign3A_30 : i32
    %rem3A = arith.remsi %squeeze3A, %jit3A_17 : i32
    %ne3A_31 = arith.constant 0 : i32
    %ne3A_32 = arith.cmpi ne, %rem3A, %ne3A_31 : i32
    %and3A = arith.andi %ne3A, %ne3A_32 : i1
    %sub3A = arith.constant 1 : i32
    %sub3A_33 = arith.subi %div3A, %sub3A : i32
    %select_n3A_34 = arith.select %and3A, %sub3A_33, %div3A : i32
    %mul3A = arith.constant 8 : i32
    %mul3A_35 = arith.muli %select_n3A_34, %mul3A : i32
    %min3A = arith.constant 448 : i32
    %min3A_36 = arith.minsi %mul3A_35, %min3A : i32
    %slice3A_37 = vector.extract_strided_slice %get3A_15 {offsets = [3999], sizes = [1], strides = [1]} : vector<4000xi32> to vector<1xi32>
    %squeeze3A_38 = vector.extract %slice3A_37[0] : i32 from vector<1xi32>
    %sub3A_39 = arith.subi %squeeze3A_38, %min3A_36 : i32
    %lt3A = arith.constant 64 : i32
    %lt3A_40 = arith.cmpi slt, %sub3A_39, %lt3A : i32
    %convert_element_type3A_41 = arith.extui %lt3A_40 : i1 to i32
    %cond3A_42 = arith.constant 0 : i32
    %cond3A_43 = arith.cmpi ne, %convert_element_type3A_41, %cond3A_42 : i32
    scf.if %cond3A_43 {
      %sub3A_48 = vector.broadcast %min3A_36 : i32 to vector<4000xi32>
      %sub3A_49 = arith.subi %get3A_15, %sub3A_48 : vector<4000xi32>
      %iota3A_50 = tpu.iota {dimensions = array<i32: 0>} : vector<64x4000xi32>
      %broadcast_in_dim3A_51 = vector.shape_cast %sub3A_49 : vector<4000xi32> to vector<1x4000xi32>
      %eq3A_52 = vector.broadcast %broadcast_in_dim3A_51 : vector<1x4000xi32> to vector<64x4000xi32>
      %eq3A_53 = arith.cmpi eq, %iota3A_50, %eq3A_52 : vector<64x4000xi32>
      %convert_element_type3A_54 = arith.extui %eq3A_53 : vector<64x4000xi1> to vector<64x4000xi32>
      %convert_element_type3A_55 = arith.sitofp %convert_element_type3A_54 : vector<64x4000xi32> to vector<64x4000xf32>
      %convert_element_type3A_56 = arith.truncf %convert_element_type3A_55 : vector<64x4000xf32> to vector<64x4000xbf16>
      %dot_general3A_57 = arith.constant dense<0.000000e+00> : vector<64x16xf32>
      %dot_general3A_58 = tpu.matmul %convert_element_type3A_56, %convert_element_type3A_16, %dot_general3A_57 {dimension_numbers = #tpu.dot_dimension_numbers<[1], [0], [0], [1], [0, 0, 1, 1], [], []>, transpose_lhs_hint = false} : vector<64x4000xbf16>, vector<4000x16xbf16>, vector<64x16xf32> -> vector<64x16xf32>
      %get3A_59 = arith.index_cast %min3A_36 : i32 to index
      %get3A_60 = arith.constant 0 : index
      %get3A_61 = vector.load %arg4[%get3A_59, %get3A_60] : memref<512x16xf32, #tpu.memory_space<vmem>>, vector<64x16xf32>
      %add3A = arith.addf %get3A_61, %dot_general3A_58 : vector<64x16xf32>
      %swap3A = arith.index_cast %min3A_36 : i32 to index
      %swap3A_62 = arith.constant 0 : index
      %swap3A_63 = vector.load %arg4[%swap3A, %swap3A_62] : memref<512x16xf32, #tpu.memory_space<vmem>>, vector<64x16xf32>
      tpu.vector_store %arg4[%swap3A, %swap3A_62], %add3A {strides = array<i32>} : memref<512x16xf32, #tpu.memory_space<vmem>>, vector<64x16xf32>,
    } else {
    }
    %not3A = arith.constant true
    %not3A_44 = arith.xori %lt3A_40, %not3A : i1
    %convert_element_type3A_45 = arith.extui %not3A_44 : i1 to i32
    %cond3A_46 = arith.constant 0 : i32
    %cond3A_47 = arith.cmpi ne, %convert_element_type3A_45, %cond3A_46 : i32
    scf.if %cond3A_47 {
      %iota3A_48 = tpu.iota {dimensions = array<i32: 0>} : vector<512x4000xi32>
      %broadcast_in_dim3A_49 = vector.shape_cast %get3A_15 : vector<4000xi32> to vector<1x4000xi32>
      %eq3A_50 = vector.broadcast %broadcast_in_dim3A_49 : vector<1x4000xi32> to vector<512x4000xi32>
      %eq3A_51 = arith.cmpi eq, %iota3A_48, %eq3A_50 : vector<512x4000xi32>
      %convert_element_type3A_52 = arith.extui %eq3A_51 : vector<512x4000xi1> to vector<512x4000xi32>
      %convert_element_type3A_53 = arith.sitofp %convert_element_type3A_52 : vector<512x4000xi32> to vector<512x4000xf32>
      %convert_element_type3A_54 = arith.truncf %convert_element_type3A_53 : vector<512x4000xf32> to vector<512x4000xbf16>
      %get3A_55 = arith.constant 0 : index
      %get3A_56 = arith.constant 0 : index
      %get3A_57 = vector.load %arg4[%get3A_55, %get3A_56] : memref<512x16xf32, #tpu.memory_space<vmem>>, vector<512x16xf32>
      %dot_general3A_58 = arith.constant dense<0.000000e+00> : vector<512x16xf32>
      %dot_general3A_59 = tpu.matmul %convert_element_type3A_54, %convert_element_type3A_16, %dot_general3A_58 {dimension_numbers = #tpu.dot_dimension_numbers<[1], [0], [0], [1], [0, 0, 1, 1], [], []>, transpose_lhs_hint = false} : vector<512x4000xbf16>, vector<4000x16xbf16>, vector<512x16xf32> -> vector<512x16xf32>
      %add3A = arith.addf %get3A_57, %dot_general3A_59 : vector<512x16xf32>
      %swap3A = arith.constant 0 : index
      %swap3A_60 = arith.constant 0 : index
      %swap3A_61 = vector.load %arg4[%swap3A, %swap3A_60] : memref<512x16xf32, #tpu.memory_space<vmem>>, vector<512x16xf32>
      tpu.vector_store %arg4[%swap3A, %swap3A_60], %add3A {strides = array<i32>} : memref<512x16xf32, #tpu.memory_space<vmem>>, vector<512x16xf32>,
    } else {
    }
    return
  }
  func.func @transform_0(%arg0: i32) -> (i32, i32) {
    %c0_i32 = arith.constant 0 : i32
    %c0_i32_0 = arith.constant 0 : i32
    return %arg0, %c0_i32 : i32, i32
  }
  func.func @transform_1(%arg0: i32) -> (i32, i32, i32) {
    %c0_i32 = arith.constant 0 : i32
    %c0_i32_0 = arith.constant 0 : i32
    %c0_i32_1 = arith.constant 0 : i32
    return %arg0, %c0_i32, %c0_i32_0 : i32, i32, i32
  }
  func.func @transform_2(%arg0: i32) -> (i32, i32) {
    %c0_i32 = arith.constant 0 : i32
    %c0_i32_0 = arith.constant 0 : i32
    %c0_i32_1 = arith.constant 0 : i32
    return %c0_i32, %c0_i32_0 : i32, i32
  }
  func.func @transform_3(%arg0: i32) -> (i32, i32) {
    %c0_i32 = arith.constant 0 : i32
    %c0_i32_0 = arith.constant 0 : i32
    %c0_i32_1 = arith.constant 0 : i32
    return %c0_i32, %c0_i32_0 : i32, i32
  }
}

module attributes {stable_mosaic.version = 14 : i64} {
  func.func @_combine_body(%arg0: memref<512x16xf32, #tpu.memory_space<vmem>>, %arg1: memref<1024x128xf32, #tpu.memory_space<vmem>>, %arg2: memref<1024x128xf32, #tpu.memory_space<vmem>>, %arg3: memref<128x16xf32, #tpu.memory_space<vmem>>, %arg4: memref<1x10xf32, #tpu.memory_space<vmem>>, %arg5: memref<512x10xf32, #tpu.memory_space<vmem>>) attributes {dimension_semantics = [], scalar_prefetch = 0 : i64, scratch_operands = 0 : i64, tpu.core_type = #tpu.core_type<tc>} {
    %get3A = arith.constant 0 : index
    %get3A_0 = arith.constant 0 : index
    %get3A_1 = vector.load %arg1[%get3A, %get3A_0] : memref<1024x128xf32, #tpu.memory_space<vmem>>, vector<512x128xf32>
    %get3A_2 = arith.constant 512 : index
    %get3A_3 = arith.constant 0 : index
    %get3A_4 = vector.load %arg1[%get3A_2, %get3A_3] : memref<1024x128xf32, #tpu.memory_space<vmem>>, vector<512x128xf32>
    %add3A = arith.addf %get3A_1, %get3A_4 : vector<512x128xf32>
    %get3A_5 = arith.constant 0 : index
    %get3A_6 = arith.constant 0 : index
    %get3A_7 = vector.load %arg2[%get3A_5, %get3A_6] : memref<1024x128xf32, #tpu.memory_space<vmem>>, vector<512x1xf32>
    %get3A_8 = arith.constant 512 : index
    %get3A_9 = arith.constant 0 : index
    %get3A_10 = vector.load %arg2[%get3A_8, %get3A_9] : memref<1024x128xf32, #tpu.memory_space<vmem>>, vector<512x1xf32>
    %add3A_11 = arith.addf %get3A_7, %get3A_10 : vector<512x1xf32>
    %get3A_12 = arith.constant 0 : index
    %get3A_13 = arith.constant 10 : index
    %get3A_14 = vector.load %arg0[%get3A_12, %get3A_13] : memref<512x16xf32, #tpu.memory_space<vmem>>, vector<512x1xf32>
    %add3A_15 = arith.addf %add3A_11, %get3A_14 : vector<512x1xf32>
    %get3A_16 = arith.constant 0 : index
    %get3A_17 = arith.constant 0 : index
    %get3A_18 = vector.load %arg3[%get3A_16, %get3A_17] : memref<128x16xf32, #tpu.memory_space<vmem>>, vector<128x16xf32>
    %dot_general3A = arith.constant dense<0.000000e+00> : vector<512x16xf32>
    %dot_general3A_19 = tpu.matmul %add3A, %get3A_18, %dot_general3A {dimension_numbers = #tpu.dot_dimension_numbers<[1], [0], [0], [1], [0, 0, 1, 1], [], []>, transpose_lhs_hint = false} : vector<512x128xf32>, vector<128x16xf32>, vector<512x16xf32> -> vector<512x16xf32>
    %get3A_20 = arith.constant 0 : index
    %get3A_21 = arith.constant 0 : index
    %get3A_22 = vector.load %arg0[%get3A_20, %get3A_21] : memref<512x16xf32, #tpu.memory_space<vmem>>, vector<512x10xf32>
    %slice3A = vector.extract_strided_slice %dot_general3A_19 {offsets = [0, 0], sizes = [512, 10], strides = [1, 1]} : vector<512x16xf32> to vector<512x10xf32>
    %add3A_23 = arith.addf %get3A_22, %slice3A : vector<512x10xf32>
    %get3A_24 = arith.constant 0 : index
    %get3A_25 = arith.constant 0 : index
    %get3A_26 = vector.load %arg4[%get3A_24, %get3A_25] : memref<1x10xf32, #tpu.memory_space<vmem>>, vector<1x10xf32>
    %mul3A = vector.broadcast %add3A_15 : vector<512x1xf32> to vector<512x10xf32>
    %mul3A_27 = vector.broadcast %get3A_26 : vector<1x10xf32> to vector<512x10xf32>
    %mul3A_28 = arith.mulf %mul3A, %mul3A_27 : vector<512x10xf32>
    %add3A_29 = arith.addf %add3A_23, %mul3A_28 : vector<512x10xf32>
    %swap3A = arith.constant 0 : index
    %swap3A_30 = arith.constant 0 : index
    %swap3A_31 = vector.load %arg5[%swap3A, %swap3A_30] : memref<512x10xf32, #tpu.memory_space<vmem>>, vector<512x10xf32>
    tpu.vector_store %arg5[%swap3A, %swap3A_30], %add3A_29 {strides = array<i32>} : memref<512x10xf32, #tpu.memory_space<vmem>>, vector<512x10xf32>,
    return
  }
}

</mosaic_0001>

<sc_bundles>
// kernel: kernel.5.cloned.1.call-start
scs
__scs_entry_jumppad:
0x0: {  	(pc) =	sbr.rel $0x88, $3  }
0x1: {  	(tag) =	ssettag $0x0;
	lr =	simm.s32 $0x1  }
0x2: {  	[smem:$0x3F9D] =	sst lr;
	_ =	strace $0xD0000000  }
0x3: {  	_ = 	snop  }
0x4: {  	_ = 	snop  }
0x5: {  	_ = 	snop  }
0x6: {  	_ = 	snop  }
0x7: {  	_ = 	snop  }
__scs_overlays_trampoline_lowered:
0x8: {  	[smem:$0x3FAC] =	sst s0  }
0x9: {  	[smem:$0x3FAD] =	sst s1  }
0xa: {  	[smem:$0x3FAE] =	sst s2  }
0xb: {  	[smem:$0x3FAF] =	sst s3  }
0xc: {  	[smem:$0x3FB0] =	sst s4  }
0xd: {  	[smem:$0x3FB1] =	sst s5  }
0xe: {  	[smem:$0x3FB2] =	sst s6  }
0xf: {  	[smem:$0x3FB3] =	sst s7  }
0x10: {  	[smem:$0x3FB4] =	sst s8  }
0x11: {  	[smem:$0x3FB5] =	sst s9;
	s0 =	simm.s32 @!p0 $0x0  }
0x12: {  	s1 =	sld [smem:$0x3F9B];
	s0 =	simm.s32 @p0 $0x1  }
0x13: {  	[smem:$0x3FB6] =	sst s0;
	s0 =	simm.s32 @!p1 $0x0  }
0x14: {  	s2 =	sld [smem:$0x3F9A];
	s0 =	simm.s32 @p1 $0x1  }
0x15: {  	[smem:$0x3FB7] =	sst s0;
	s0 =	simm.s32 @!p2 $0x0  }
0x16: {  	s3 =	sld [smem:$0x3FDB];
	s0 =	simm.s32 @p2 $0x1  }
0x17: {  	s4 =	simm.s32 $0x1BF5;
	[smem:$0x3FB9] =	sst s0  }
0x18: {  	s0 =	sld [smem:$0x3F9C];
	_ =	swait.ge [sflag:s4], $0x0  }
0x19: {  	s7 =	sld [smem:$0x3F9D]  }
0x1a: {  	s8 =	sadd.s32 $0xFFFFE003, lr  }
0x1b: {  	s9 =	sadd.s32 $0xFFFFFEF7, lr;
	s5 =	simm.s32 $0xFFFFFFFF;
	p2 =	slt.u32 s8, $0xFFFFF086  }
0x1c: {  	p1 =	slt.u32 s9, $0xF7A;
	s5 =	simm.s32 @!p2 $0x0  }
0x1d: {  	s5 =	simm.s32 @p1 $0x1;
	p0 =	seq.s32 s7, s2  }
0x1e: {  	s7 =	smul.u32 @!p0 $0xF7A, s2;
	p2 =	seq.s32 @!p0 s5, $0x0  }
0x1f: {  	s9 =	smul.u32 $0xF7A, s1;
	s8 =	simm.s32 @!p0 $0x1BF5;
	p2 =	por !p2, p0  }
0x20: {  	[sflag:s8] =	ssyncset.s32 @!p0 $0xFFFFF086;
	s6 =	sadd.s32 @!p0 s3, s7;
	s7 =	simm.s32 @!p0 $0x108  }
0x21: {  	s3 =	sadd.s32 s3, s9;
	s6 =	sadd.s32 @!p0 $0x88, s6;
	s7 =	simm.s32 @p2 $0x1082  }
0x22: {  	[simem:s7], [sflag:s8] =	dma.local @!p0 [hbm:s6], $0xF7A  }
0x23: {  	s9 =	sor.u32 $0xD0000000, s2;
	s6 =	simm.s32 $0x108;
	_ =	swait.ge @!p0 [sflag:s8], $0x0  }
0x24: {  	s3 =	sadd.s32 $0x88, s3;
	s6 =	simm.s32 @!p1 $0x1082;
	[sflag:s4] =	ssyncset.s32 $0xFFFFF086  }
0x25: {  	[simem:s6], [sflag:s4] =	dma.local [hbm:s3], $0xF7A  }
0x26: {  	[smem:$0x3F9D] =	sst s1;
	(tag) =	ssettag s2;
	_ =	strace s9  }
0x27: {  	s1 =	sld [smem:$0x3FAD]  }
0x28: {  	s2 =	sld [smem:$0x3FAE]  }
0x29: {  	s4 =	sld [smem:$0x3FB0]  }
0x2a: {  	p0 =	seq.s32 s5, $0x0;
	s5 =	sld [smem:$0x3FB1]  }
0x2b: {  	s6 =	sld [smem:$0x3FB2]  }
0x2c: {  	s7 =	sld [smem:$0x3FB3]  }
0x2d: {  	s3 =	simm.s32 $0x108;
	s8 =	sld [smem:$0x3FB4]  }
0x2e: {  	s3 =	simm.s32 @!p0 $0x1082;
	s9 =	sld [smem:$0x3FB5]  }
0x2f: {  	lr =	sadd.s32 s0, s3;
	s0 =	sld [smem:$0x3FAC]  }
0x30: {  	s3 =	sld [smem:$0x3FAF]  }
0x31: {  	[smem:$0x3FB8] =	sst s10  }
0x32: {  	s10 =	sld [smem:$0x3FB6];
	_ =	sdelay $0x3  }
0x33: {  	p0 =	seq.s32 s10, $0x1;
	s10 =	sld [smem:$0x3FB8];
	_ =	sdelay $0x3  }
0x34: {  	[smem:$0x3FB8] =	sst s10  }
0x35: {  	s10 =	sld [smem:$0x3FB7];
	_ =	sdelay $0x3  }
0x36: {  	p1 =	seq.s32 s10, $0x1;
	s10 =	sld [smem:$0x3FB8];
	_ =	sdelay $0x3  }
0x37: {  	[smem:$0x3FB8] =	sst s10  }
0x38: {  	s10 =	sld [smem:$0x3FB9]  }
0x39: {  	_ = 	snop;
	(pc) =	sbr.ind lr, $3  }
0x3a: {  	_ = 	snop  }
0x3b: {  	_ = 	snop  }
0x3c: {  	p2 =	seq.s32 s10, $0x1;
	s10 =	sld [smem:$0x3FB8]  }
0x3d: {  	_ =	shalt  }
0x3e: {  	_ =	shalt  }
0x3f: {  	_ =	shalt  }
0x40: {  	_ =	shalt  }
0x41: {  	_ =	shalt  }
0x42: {  	_ =	shalt  }
0x43: {  	_ =	shalt  }
0x44: {  	_ =	shalt  }
0x45: {  	_ =	shalt  }
0x46: {  	_ =	shalt  }
0x47: {  	_ =	shalt  }
0x48: {  	_ =	shalt  }
0x49: {  	_ =	shalt  }
0x4a: {  	_ =	shalt  }
0x4b: {  	_ =	shalt  }
0x4c: {  	_ =	shalt  }
0x4d: {  	_ =	shalt  }
0x4e: {  	_ =	shalt  }
0x4f: {  	_ =	shalt  }
0x50: {  	_ =	shalt  }
0x51: {  	_ =	shalt  }
0x52: {  	_ =	shalt  }
0x53: {  	_ =	shalt  }
0x54: {  	_ =	shalt  }
0x55: {  	_ =	shalt  }
0x56: {  	_ =	shalt  }
0x57: {  	_ =	shalt  }
0x58: {  	_ =	shalt  }
0x59: {  	_ =	shalt  }
0x5a: {  	_ =	shalt  }
0x5b: {  	_ =	shalt  }
0x5c: {  	_ =	shalt  }
0x5d: {  	_ =	shalt  }
0x5e: {  	_ =	shalt  }
0x5f: {  	_ =	shalt  }
0x60: {  	_ =	shalt  }
0x61: {  	_ =	shalt  }
0x62: {  	_ =	shalt  }
0x63: {  	_ =	shalt  }
0x64: {  	_ =	shalt  }
0x65: {  	_ =	shalt  }
0x66: {  	_ =	shalt  }
0x67: {  	_ =	shalt  }
0x68: {  	_ =	shalt  }
0x69: {  	_ =	shalt  }
0x6a: {  	_ =	shalt  }
0x6b: {  	_ =	shalt  }
0x6c: {  	_ =	shalt  }
0x6d: {  	_ =	shalt  }
0x6e: {  	_ =	shalt  }
0x6f: {  	_ =	shalt  }
0x70: {  	_ =	shalt  }
0x71: {  	_ =	shalt  }
0x72: {  	_ =	shalt  }
0x73: {  	_ =	shalt  }
0x74: {  	_ =	shalt  }
0x75: {  	_ =	shalt  }
0x76: {  	_ =	shalt  }
0x77: {  	_ =	shalt  }
0x78: {  	_ =	shalt  }
0x79: {  	_ =	shalt  }
0x7a: {  	_ =	shalt  }
0x7b: {  	_ =	shalt  }
0x7c: {  	_ =	shalt  }
0x7d: {  	_ =	shalt  }
0x7e: {  	_ =	shalt  }
0x7f: {  	_ =	shalt  }
0x80: {  	_ =	shalt  }
0x81: {  	_ =	shalt  }
0x82: {  	_ =	shalt  }
0x83: {  	_ =	shalt  }
0x84: {  	_ =	shalt  }
0x85: {  	_ =	shalt  }
0x86: {  	_ =	shalt  }
0x87: {  	_ =	shalt  }
.Lfunc_end0:
.L_simem_size_0:
called_computation_lowered:
.L_overlay_start_0:
0x88: {  	s2 =	sld [smem:$0x3FD9]  }
0x89: {  	s3 =	sld [smem:$0x3FFE];
	_ =	sdelay $0x1  }
0x8a: {  	s1 =	srdreg.scid  }
0x8b: {  	s0 =	sand.u32 $0x1, s1  }
0x8c: {  	s17 =	sshll.u32 s0, $0xA;
	s2 =	sadd.s32 s3, s2  }
0x8d: {  	s2 =	sadd.s32 s2, s17  }
0x8e: {  	[smem:$0x3FC4] =	sst s2  }
0x8f: {  	_ = 	snop  }
0x90: {  	s2 =	sld [smem:$0x3FC9];
	(tm) =	ssettm $0x1  }
0x91: {  	s18 =	sld [smem:$0x3FFB];
	_ =	sdelay $0x3  }
0x92: {  	_ =	strace s18  }
0x93: {  	s3 =	sld [smem:$0x3FFC];
	_ =	sdelay $0x3  }
0x94: {  	_ =	strace s3  }
0x95: {  	s3 =	sld [smem:$0x3FFD];
	_ =	sdelay $0x3  }
0x96: {  	_ =	strace s3  }
0x97: {  	_ =	strace $0x8FFFFFFF  }
0x98: {  	s19 =	sld [smem:$0x3FDB];
	_ =	sdelay $0x1  }
0x99: {  	s4 =	simm.s32 $_scs_section_size  }
0x9a: {  	s5 =	simm.s32 $_size__tile_overlayer_lowered;
	s6 =	simm.s32 $_tile_overlayer_lowered  }
0x9b: {  	s22 =	simm.s32 $0x1BFF;
	s21 =	sshll.u32 s6, $0x1;
	s3 =	sadd.s32 s4, s19  }
0x9c: {  	s7 =	simm.s32 $0x0;
	s20 =	sshll.u32 s5, $0x1;
	s5 =	sadd.s32 s21, s3  }
0x9d: {  	[timem:s7], [sflag:s22] =	dma.local [hbm:s5], s20  }
0x9e: {  	_ =	swait.ge [sflag:s22], s20  }
0x9f: {  	s4 =	ssub.s32 $0x0, s20;
	[sflag:s22] =	ssyncset.done $0x0  }
0xa0: {  	[sflag:s22] =	ssyncadd.s32 s4;
	_ =	sdelay $0x1  }
0xa1: {  	s23 =	simm.s32 $0x1B8B  }
0xa2: {  	_ =	swait.ge [sflag:s23], $0x1  }
0xa3: {  	[sflag:s23] =	ssyncset.done $0x0  }
0xa4: {  	s25 =	simm.s32 $0x1B8E;
	s24 =	sld [smem:$0x3FFE];
	[sflag:s23] =	ssyncadd.s32 $0xFFFFFFFF  }
0xa5: {  	s26 =	simm.s32 $execute0_lowered;
	[smem:$0x3FD2] =	sst s25  }
0xa6: {  	s5 =	sshll.u32 s26, $0x1;
	_ =	strace $0x80000046;
	[dreg:$0x1] =	wrdreg $0xFFFFFFFF  }
0xa7: {  	s28 =	simm.s32 $_size_execute0_lowered;
	s3 =	sadd.s32 s3, s5;
	[dreg:$0x0] =	wrdreg $0x0  }
0xa8: {  	s5 =	sshll.u32 s28, $0x1;
	[dreg:$0x2] =	wrdreg s3  }
0xa9: {  	[dreg:$0x3] =	wrdreg s5  }
0xaa: {  	[dreg:$0x4] =	wrdreg $0xC0  }
0xab: {  	_ =	task [dreg:s7], $0x5FFFF  }
0xac: {  	[dreg:$0x1] =	wrdreg $0xFFFFFFFF  }
0xad: {  	[dreg:$0x0] =	wrdreg $0x60  }
0xae: {  	[dreg:$0x2] =	wrdreg s2  }
0xaf: {  	[dreg:$0x3] =	wrdreg s24  }
0xb0: {  	[dreg:$0x4] =	wrdreg $0x103000  }
0xb1: {  	[dreg:$0x5] =	wrdreg $0x113000  }
0xb2: {  	[dreg:$0x6] =	wrdreg $0x9  }
0xb3: {  	_ =	task.clear_ibuf [dreg:s7], $0x7FFFF;
	_ =	strace $0x90000046  }
0xb4: {  	s29 =	simm.s32 $0x9;
	_ =	strace $0x80000048  }
0xb5: {  	_ =	swait.ge [sflag:s29], $0x1  }
0xb6: {  	[sflag:s29] =	ssyncadd.s32 $0xFFFFFFFF  }
0xb7: {  	_ =	strace $0x90000048  }
0xb8: {  	_ =	sfence  }
0xb9: {  	s30 =	sld [smem:$0x0];
	_ =	sdelay $0x2  }
0xba: {  	s31 =	sshll.u32 s1, $0xD;
	s1 =	sshrl.u32 s1, $0x2  }
0xbb: {  	s3 =	sand.u32 $0x4000, s31;
	s1 =	sadd.s32 s1, s30  }
0xbc: {  	s0 =	sor.u32 s3, s0;
	s1 =	sshll.u32 s1, $0x11  }
0xbd: {  	s0 =	sor.u32 s1, s0  }
0xbe: {  	s0 =	sadd.s32 $0x8F2B, s0  }
0xbf: {  	[sflag:s0] =	ssyncadd.remote.s32 $0x1  }
0xc0: {  	_ =	sfence.sel $0xFFFF  }
0xc1: {  	[dreg:$0x0] =	wrdreg $0xFFFFFFFF;
	(pc) =	sbr.abs _section_cstart, $3  }
0xc2: {  	[dreg:$0x1] =	wrdreg $0xFFFFFFFF  }
0xc3: {  	_ =	task.clear_ibuf [dreg:s7], $0x2FFFF;
	_ =	strace $0x9FFFFFFF  }
0xc4: {  	(tm) =	ssettm $0x7FFFFFFF  }
0xc5: {  	_ =	shalt  }
tec
execute0_lowered:
.L_overlay_start_1:
0x0: {  	(tag) =	ssettag $0x1  }
0x1: {  	s4 =	rddreg [dreg:$0x0]  }
0x2: {  	s3 =	rddreg [dreg:$0x1]  }
0x3: {  	s1 =	rddreg [dreg:$0x2]  }
0x4: {  	s2 =	rddreg [dreg:$0x3];
	s6 =	simm.s32 $0x0;
	s5 =	srdreg.scid  }
0x5: {  	s7 =	stileid.u32;
	s28 =	simm.s32 $0x3;
	s15 =	simm.s32 $0xC000  }
0x6: {  	s18 =	simm.s32 $0xC180;
	s19 =	simm.s32 $0xC200;
	s20 =	simm.s32 $0xC280  }
0x7: {  	s13 =	simm.s32 $0x1;
	s14 =	simm.s32 $0x7D;
	p1 =	por $0x0, $0x0  }
0x8: {  	s17 =	simm.s32 $0x4000;
	s16 =	simm.s32 $0x8000;
	[smem:$0x7FF] =	sst s6  }
0x9: {  	s5 =	sand.u32 $0x1, s5;
	s9 =	sadd.s32 $0x1600, s3;
	s10 =	sadd.s32 $0x1C00, s3  }
0xa: {  	s11 =	sadd.s32 $0x1000, s3;
	s26 =	sadd.s32 $0x2400, s3;
	p0 =	sne.s32 s7, $0x0  }
0xb: {  	s8 =	sshll.u32 s5, $0x4;
	s12 =	sshll.u32 s5, $0xD;
	s5 =	ssub.s32 $0x2, s5  }
0xc: {  	_ =	strace $0x80000047;
	[dreg:$0x5] =	wrdreg s10;
	s22 =	sshrl.u32 s5, $0x1  }
0xd: {  	s8 =	sor.u32 s7, s8;
	s3 =	sadd.s32 s12, s3;
	s12 =	ssub.s32 s5, s22  }
0xe: {  	s10 =	simm.s32 $0xC300;
	s21 =	smul.u32 $0x30, s8;
	s30 =	smax.u32 s12, $0x1  }
0xf: {  	s7 =	sshrl.u32 @!p0 s2, $0x3;
	s8 =	smul.u32 $0x180, s8;
	s31 =	sadd.s32 $0xFFFFFFFF, s30  }
0x10: {  	s5 =	sadd.s32 $0x4400, s3;
	s3 =	sadd.s32 $0x8400, s3;
	p2 =	sne.s32 s31, $0x0  }
.Ltmp0:
0x11: {  	s12 =	simm.s32 $0xC080;
	s23 =	sadd.s32 s9, s21;
	(pc) =	sbr.rel @!p2 .LBB2_3-.Ltmp0, $4  }
0x12: {  	s8 =	sshrl.u32 s8, $0x3;
	s21 =	sadd.s32 s11, s21;
	[dreg:$0x6] =	wrdreg s23  }
0x13: {  	s24 =	sadd.s32 $0x10, s8;
	s25 =	sadd.s32 $0x20, s8;
	s8 =	sshrl.u32 @!p0 s1, $0x3  }
0x14: {  	s22 =	sadd.s32 s9, s24;
	s23 =	sadd.s32 s11, s24;
	s24 =	sadd.s32 s9, s25  }
0x15: {  	s25 =	sadd.s32 s11, s25;
	s11 =	simm.s32 $0xC100;
	s9 =	simm.s32 $0x2  }
0x16: {  	s30 =	simm.s32 @!p0 $0x1C03;
	s29 =	simm.s32 @!p0 $0x3  }
0x17: {  	[spmem:s8], [sflag:s30] =	dma.local @!p0 [hbm:s26], $0x2000  }
0x18: {  	_ =	swait.ge @!p0 [sflag:s29], $0x2000  }
0x19: {  	[sflag:s29] =	ssyncset.done @!p0 $0x0  }
0x1a: {  	[sflag:s29] =	ssyncadd.s32 @!p0 $0xFFFFE000  }
0x1b: {  	[spmem:s7], [sflag:s30] =	dma.local @!p0 [hbm:s26], $0x2000  }
0x1c: {  	_ =	swait.ge @!p0 [sflag:s29], $0x2000  }
0x1d: {  	[sflag:s29] =	ssyncset.done @!p0 $0x0  }
0x1e: {  	s0 =	rddreg [dreg:$0x5];
	[sflag:s29] =	ssyncadd.s32 @!p0 $0xFFFFE000  }
0x1f: {  	[tilespmem:s10], [sflag:$0x3] =	stream.linear.gather [hbm4b:s0+s6], $0x3E80, $0x38;
	[tilespmem:$0x12300] =	vst v63  }
0x20: {  	_ =	swait.ge [sflag:s28], $0x3E80  }
0x21: {  	[sflag:s28] =	ssyncset.done $0x0  }
0x22: {  	[sflag:s28] =	ssyncadd.s32 $0xFFFFC180  }
0x23: {  	[bflag:$0x0] =	sbarrier.arrive $0xFFFF  }
0x24: {  	s0 =	rddreg [dreg:$0x6]  }
0x25: {  	[tilespmem:s15], [sflag:$0x1] =	stream.linear.gather [hbm4b:s0+s6], $0x80, $0x38;
	[tilespmem:$0x12300] =	vst v63  }
0x26: {  	_ = 	snop  }
0x27: {  	[tilespmem:s18], [sflag:$0x1] =	stream.linear.gather [hbm4b:s21+s6], $0x80, $0x38;
	[tilespmem:$0x12300] =	vst v63  }
0x28: {  	_ = 	snop  }
0x29: {  	[tilespmem:s12], [sflag:$0x1] =	stream.linear.gather [hbm4b:s22+s6], $0x80, $0x38;
	[tilespmem:$0x12300] =	vst v63  }
0x2a: {  	_ = 	snop  }
0x2b: {  	[tilespmem:s19], [sflag:$0x1] =	stream.linear.gather [hbm4b:s23+s6], $0x80, $0x38;
	[tilespmem:$0x12300] =	vst v63  }
0x2c: {  	_ = 	snop  }
0x2d: {  	[tilespmem:s11], [sflag:$0x1] =	stream.linear.gather [hbm4b:s24+s6], $0x80, $0x38;
	[tilespmem:$0x12300] =	vst v63  }
0x2e: {  	_ = 	snop  }
0x2f: {  	[tilespmem:s20], [sflag:$0x1] =	stream.linear.gather [hbm4b:s25+s6], $0x80, $0x38;
	[tilespmem:$0x12300] =	vst v63  }
0x30: {  	_ =	swait.ge [sflag:s13], $0x80  }
0x31: {  	[sflag:s13] =	ssyncset.done $0x0  }
0x32: {  	[sflag:s13] =	ssyncadd.s32 $0xFFFFFF80  }
0x33: {  	_ =	swait.ge [sflag:s13], $0x80  }
0x34: {  	[sflag:s13] =	ssyncset.done $0x0  }
0x35: {  	[sflag:s13] =	ssyncadd.s32 $0xFFFFFF80  }
0x36: {  	_ =	swait.ge [sflag:s13], $0x80  }
0x37: {  	[sflag:s13] =	ssyncset.done $0x0  }
0x38: {  	[sflag:s13] =	ssyncadd.s32 $0xFFFFFF80  }
0x39: {  	_ =	swait.ge [sflag:s13], $0x80  }
0x3a: {  	[sflag:s13] =	ssyncset.done $0x0  }
0x3b: {  	[sflag:s13] =	ssyncadd.s32 $0xFFFFFF80  }
0x3c: {  	_ =	swait.ge [sflag:s13], $0x80  }
0x3d: {  	[sflag:s13] =	ssyncset.done $0x0  }
0x3e: {  	[sflag:s13] =	ssyncadd.s32 $0xFFFFFF80  }
0x3f: {  	_ =	swait.ge [sflag:s13], $0x80  }
0x40: {  	[sflag:s13] =	ssyncset.done $0x0  }
0x41: {  	[sflag:s13] =	ssyncadd.s32 $0xFFFFFF80  }
0x42: {  	[tilespmem:s6], [sflag:$0x1] =	stream.indirect.gather [hbm4b:s4+s14], $0x80, s18, s14, $0xb8;
	[tilespmem:$0x12300] =	vst v63  }
0x43: {  	_ = 	snop  }
0x44: {  	[tilespmem:s17], [sflag:$0x1] =	stream.indirect.gather [hbm4b:s4+s14], $0x80, s19, s14, $0xb8;
	[tilespmem:$0x12300] =	vst v63  }
0x45: {  	_ = 	snop  }
0x46: {  	[tilespmem:s16], [sflag:$0x1] =	stream.indirect.gather [hbm4b:s4+s14], $0x80, s20, s14, $0xb8;
	[tilespmem:$0x12300] =	vst v63  }
0x47: {  	_ =	swait.ge [sflag:s13], $0x3E80  }
0x48: {  	[sflag:s13] =	ssyncset.done $0x0  }
0x49: {  	[sflag:s13] =	ssyncadd.s32 $0xFFFFC180  }
0x4a: {  	[spmem:s1] =	stream.indirect.scatter.add.f32 [tilespmem:s6], [sflag:$0x2], $0x80, s15, s14, $0xb8;
	[tilespmem:$0x12300] =	vst v63  }
0x4b: {  	_ = 	snop  }
0x4c: {  	[spmem:s2] =	stream.indirect.scatter.add.f32 [tilespmem:s10], [sflag:$0x2], $0x80, s15, s14, $0xb8;
	[tilespmem:$0x12300] =	vst v63  }
0x4d: {  	_ =	swait.ge [sflag:s13], $0x3E80  }
0x4e: {  	[sflag:s13] =	ssyncset.done $0x0  }
0x4f: {  	[sflag:s13] =	ssyncadd.s32 $0xFFFFC180  }
0x50: {  	[spmem:s1] =	stream.indirect.scatter.add.f32 [tilespmem:s17], [sflag:$0x2], $0x80, s12, s14, $0xb8;
	[tilespmem:$0x12300] =	vst v63  }
0x51: {  	_ = 	snop  }
0x52: {  	[spmem:s2] =	stream.indirect.scatter.add.f32 [tilespmem:s10], [sflag:$0x2], $0x80, s12, s14, $0xb8;
	[tilespmem:$0x12300] =	vst v63  }
0x53: {  	_ =	swait.ge [sflag:s13], $0x3E80  }
0x54: {  	[sflag:s13] =	ssyncset.done $0x0  }
0x55: {  	[sflag:s13] =	ssyncadd.s32 $0xFFFFC180  }
0x56: {  	[spmem:s1] =	stream.indirect.scatter.add.f32 [tilespmem:s16], [sflag:$0x2], $0x80, s11, s14, $0xb8;
	[tilespmem:$0x12300] =	vst v63  }
0x57: {  	_ = 	snop  }
0x58: {  	[spmem:s2] =	stream.indirect.scatter.add.f32 [tilespmem:s10], [sflag:$0x2], $0x80, s11, s14, $0xb8;
	[tilespmem:$0x12300] =	vst v63  }
0x59: {  	_ =	swait.ge [sflag:s9], $0x3E80  }
0x5a: {  	[sflag:s9] =	ssyncset.done $0x0  }
0x5b: {  	[sflag:s9] =	ssyncadd.s32 $0xFFFFC180  }
0x5c: {  	_ =	swait.ge [sflag:s9], $0x3E80  }
0x5d: {  	[sflag:s9] =	ssyncset.done $0x0  }
0x5e: {  	[sflag:s9] =	ssyncadd.s32 $0xFFFFC180  }
0x5f: {  	_ =	swait.ge [sflag:s9], $0x3E80  }
0x60: {  	[sflag:s9] =	ssyncset.done $0x0  }
0x61: {  	[sflag:s9] =	ssyncadd.s32 $0xFFFFC180  }
0x62: {  	_ =	swait.ge [sflag:s9], $0x3E80  }
0x63: {  	[sflag:s9] =	ssyncset.done $0x0  }
0x64: {  	[sflag:s9] =	ssyncadd.s32 $0xFFFFC180  }
0x65: {  	_ =	swait.ge [sflag:s9], $0x3E80  }
0x66: {  	[sflag:s9] =	ssyncset.done $0x0  }
0x67: {  	[sflag:s9] =	ssyncadd.s32 $0xFFFFC180  }
0x68: {  	_ =	swait.ge [sflag:s9], $0x3E80  }
0x69: {  	[sflag:s9] =	ssyncset.done $0x0  }
0x6a: {  	[sflag:s9] =	ssyncadd.s32 $0xFFFFC180  }
0x6b: {  	s31 =	sadd.s32 $0xFFFFFFFF, s31;
	[bflag:$0x0] =	sbarrier.arrive $0xFFFF  }
0x6c: {  	[hbm:s5], [sflag:s30] =	dma.local @!p0 [spmem:s8], $0x2000  }
0x6d: {  	p2 =	sne.s32 s31, $0x0;
	_ =	swait.ge @!p0 [sflag:s29], $0x2000  }
.Ltmp1:
0x6e: {  	[sflag:s29] =	ssyncset.done @!p0 $0x0;
	(pc) =	sbr.rel @!p2 .LBB2_3-.Ltmp1, $4  }
0x6f: {  	[sflag:s29] =	ssyncadd.s32 @!p0 $0xFFFFE000  }
0x70: {  	[hbm:s3], [sflag:s30] =	dma.local @!p0 [spmem:s7], $0x2000  }
0x71: {  	_ =	swait.ge @!p0 [sflag:s29], $0x2000  }
0x72: {  	p1 =	por $0x1, $0x1;
	[sflag:s29] =	ssyncset.done @!p0 $0x0  }
.LBB2_2:
0x73: {  	[sflag:s29] =	ssyncadd.s32 @!p0 $0xFFFFE000  }
0x74: {  	[spmem:s8], [sflag:s30] =	dma.local @!p0 [hbm:s26], $0x2000  }
0x75: {  	_ =	swait.ge @!p0 [sflag:s29], $0x2000  }
0x76: {  	[sflag:s29] =	ssyncset.done @!p0 $0x0  }
0x77: {  	[sflag:s29] =	ssyncadd.s32 @!p0 $0xFFFFE000  }
0x78: {  	[spmem:s7], [sflag:s30] =	dma.local @!p0 [hbm:s26], $0x2000  }
0x79: {  	_ =	swait.ge @!p0 [sflag:s29], $0x2000  }
0x7a: {  	[sflag:s29] =	ssyncset.done @!p0 $0x0  }
0x7b: {  	s0 =	rddreg [dreg:$0x5];
	[sflag:s29] =	ssyncadd.s32 @!p0 $0xFFFFE000  }
0x7c: {  	[tilespmem:s10], [sflag:$0x3] =	stream.linear.gather [hbm4b:s0+s6], $0x3E80, $0x38;
	[tilespmem:$0x12300] =	vst v63  }
0x7d: {  	_ =	swait.ge [sflag:s28], $0x3E80  }
0x7e: {  	[sflag:s28] =	ssyncset.done $0x0  }
0x7f: {  	[sflag:s28] =	ssyncadd.s32 $0xFFFFC180  }
0x80: {  	[bflag:$0x0] =	sbarrier.arrive $0xFFFF  }
0x81: {  	s0 =	rddreg [dreg:$0x6]  }
0x82: {  	[tilespmem:s15], [sflag:$0x1] =	stream.linear.gather [hbm4b:s0+s6], $0x80, $0x38;
	[tilespmem:$0x12300] =	vst v63  }
0x83: {  	_ = 	snop  }
0x84: {  	[tilespmem:s18], [sflag:$0x1] =	stream.linear.gather [hbm4b:s21+s6], $0x80, $0x38;
	[tilespmem:$0x12300] =	vst v63  }
0x85: {  	_ = 	snop  }
0x86: {  	[tilespmem:s12], [sflag:$0x1] =	stream.linear.gather [hbm4b:s22+s6], $0x80, $0x38;
	[tilespmem:$0x12300] =	vst v63  }
0x87: {  	_ = 	snop  }
0x88: {  	[tilespmem:s19], [sflag:$0x1] =	stream.linear.gather [hbm4b:s23+s6], $0x80, $0x38;
	[tilespmem:$0x12300] =	vst v63  }
0x89: {  	_ = 	snop  }
0x8a: {  	[tilespmem:s11], [sflag:$0x1] =	stream.linear.gather [hbm4b:s24+s6], $0x80, $0x38;
	[tilespmem:$0x12300] =	vst v63  }
0x8b: {  	_ = 	snop  }
0x8c: {  	[tilespmem:s20], [sflag:$0x1] =	stream.linear.gather [hbm4b:s25+s6], $0x80, $0x38;
	[tilespmem:$0x12300] =	vst v63  }
0x8d: {  	_ =	swait.ge [sflag:s13], $0x80  }
0x8e: {  	[sflag:s13] =	ssyncset.done $0x0  }
0x8f: {  	[sflag:s13] =	ssyncadd.s32 $0xFFFFFF80  }
0x90: {  	_ =	swait.ge [sflag:s13], $0x80  }
0x91: {  	[sflag:s13] =	ssyncset.done $0x0  }
0x92: {  	[sflag:s13] =	ssyncadd.s32 $0xFFFFFF80  }
0x93: {  	_ =	swait.ge [sflag:s13], $0x80  }
0x94: {  	[sflag:s13] =	ssyncset.done $0x0  }
0x95: {  	[sflag:s13] =	ssyncadd.s32 $0xFFFFFF80  }
0x96: {  	_ =	swait.ge [sflag:s13], $0x80  }
0x97: {  	[sflag:s13] =	ssyncset.done $0x0  }
0x98: {  	[sflag:s13] =	ssyncadd.s32 $0xFFFFFF80  }
0x99: {  	_ =	swait.ge [sflag:s13], $0x80  }
0x9a: {  	[sflag:s13] =	ssyncset.done $0x0  }
0x9b: {  	[sflag:s13] =	ssyncadd.s32 $0xFFFFFF80  }
0x9c: {  	_ =	swait.ge [sflag:s13], $0x80  }
0x9d: {  	[sflag:s13] =	ssyncset.done $0x0  }
0x9e: {  	[sflag:s13] =	ssyncadd.s32 $0xFFFFFF80  }
0x9f: {  	[tilespmem:s6], [sflag:$0x1] =	stream.indirect.gather [hbm4b:s4+s14], $0x80, s18, s14, $0xb8;
	[tilespmem:$0x12300] =	vst v63  }
0xa0: {  	_ = 	snop  }
0xa1: {  	[tilespmem:s17], [sflag:$0x1] =	stream.indirect.gather [hbm4b:s4+s14], $0x80, s19, s14, $0xb8;
	[tilespmem:$0x12300] =	vst v63  }
0xa2: {  	_ = 	snop  }
0xa3: {  	[tilespmem:s16], [sflag:$0x1] =	stream.indirect.gather [hbm4b:s4+s14], $0x80, s20, s14, $0xb8;
	[tilespmem:$0x12300] =	vst v63  }
0xa4: {  	_ =	swait.ge [sflag:s13], $0x3E80  }
0xa5: {  	[sflag:s13] =	ssyncset.done $0x0  }
0xa6: {  	[sflag:s13] =	ssyncadd.s32 $0xFFFFC180  }
0xa7: {  	[spmem:s1] =	stream.indirect.scatter.add.f32 [tilespmem:s6], [sflag:$0x2], $0x80, s15, s14, $0xb8;
	[tilespmem:$0x12300] =	vst v63  }
0xa8: {  	_ = 	snop  }
0xa9: {  	[spmem:s2] =	stream.indirect.scatter.add.f32 [tilespmem:s10], [sflag:$0x2], $0x80, s15, s14, $0xb8;
	[tilespmem:$0x12300] =	vst v63  }
0xaa: {  	_ =	swait.ge [sflag:s13], $0x3E80  }
0xab: {  	[sflag:s13] =	ssyncset.done $0x0  }
0xac: {  	[sflag:s13] =	ssyncadd.s32 $0xFFFFC180  }
0xad: {  	[spmem:s1] =	stream.indirect.scatter.add.f32 [tilespmem:s17], [sflag:$0x2], $0x80, s12, s14, $0xb8;
	[tilespmem:$0x12300] =	vst v63  }
0xae: {  	_ = 	snop  }
0xaf: {  	[spmem:s2] =	stream.indirect.scatter.add.f32 [tilespmem:s10], [sflag:$0x2], $0x80, s12, s14, $0xb8;
	[tilespmem:$0x12300] =	vst v63  }
0xb0: {  	_ =	swait.ge [sflag:s13], $0x3E80  }
0xb1: {  	[sflag:s13] =	ssyncset.done $0x0  }
0xb2: {  	[sflag:s13] =	ssyncadd.s32 $0xFFFFC180  }
0xb3: {  	[spmem:s1] =	stream.indirect.scatter.add.f32 [tilespmem:s16], [sflag:$0x2], $0x80, s11, s14, $0xb8;
	[tilespmem:$0x12300] =	vst v63  }
0xb4: {  	_ = 	snop  }
0xb5: {  	[spmem:s2] =	stream.indirect.scatter.add.f32 [tilespmem:s10], [sflag:$0x2], $0x80, s11, s14, $0xb8;
	[tilespmem:$0x12300] =	vst v63  }
0xb6: {  	_ =	swait.ge [sflag:s9], $0x3E80  }
0xb7: {  	[sflag:s9] =	ssyncset.done $0x0  }
0xb8: {  	[sflag:s9] =	ssyncadd.s32 $0xFFFFC180  }
0xb9: {  	_ =	swait.ge [sflag:s9], $0x3E80  }
0xba: {  	[sflag:s9] =	ssyncset.done $0x0  }
0xbb: {  	[sflag:s9] =	ssyncadd.s32 $0xFFFFC180  }
0xbc: {  	_ =	swait.ge [sflag:s9], $0x3E80  }
0xbd: {  	[sflag:s9] =	ssyncset.done $0x0  }
0xbe: {  	[sflag:s9] =	ssyncadd.s32 $0xFFFFC180  }
0xbf: {  	_ =	swait.ge [sflag:s9], $0x3E80  }
0xc0: {  	[sflag:s9] =	ssyncset.done $0x0  }
0xc1: {  	[sflag:s9] =	ssyncadd.s32 $0xFFFFC180  }
0xc2: {  	_ =	swait.ge [sflag:s9], $0x3E80  }
0xc3: {  	[sflag:s9] =	ssyncset.done $0x0  }
0xc4: {  	[sflag:s9] =	ssyncadd.s32 $0xFFFFC180  }
0xc5: {  	_ =	swait.ge [sflag:s9], $0x3E80  }
0xc6: {  	[sflag:s9] =	ssyncset.done $0x0  }
0xc7: {  	[sflag:s9] =	ssyncadd.s32 $0xFFFFC180  }
0xc8: {  	s31 =	sadd.s32 $0xFFFFFFFF, s31;
	[bflag:$0x0] =	sbarrier.arrive $0xFFFF  }
0xc9: {  	[hbm:s5], [sflag:s30] =	dma.local @!p0 [spmem:s8], $0x2000  }
0xca: {  	p2 =	sne.s32 s31, $0x0;
	_ =	swait.ge @!p0 [sflag:s29], $0x2000  }
.Ltmp2:
0xcb: {  	[sflag:s29] =	ssyncset.done @!p0 $0x0;
	(pc) =	sbr.rel @p2 .LBB2_2-.Ltmp2, $4  }
0xcc: {  	[sflag:s29] =	ssyncadd.s32 @!p0 $0xFFFFE000  }
0xcd: {  	[hbm:s3], [sflag:s30] =	dma.local @!p0 [spmem:s7], $0x2000  }
0xce: {  	_ =	swait.ge @!p0 [sflag:s29], $0x2000  }
0xcf: {  	[sflag:s29] =	ssyncset.done @!p0 $0x0  }
.LBB2_3:
0xd0: {  	p1 =	por p0, !p1  }
0xd1: {  	s30 =	simm.s32 @!p0 $0x1C03;
	[sflag:s29] =	ssyncadd.s32 @!p1 $0xFFFFE000;
	s29 =	simm.s32 @!p0 $0x3  }
0xd2: {  	[spmem:s8], [sflag:s30] =	dma.local @!p0 [hbm:s26], $0x2000  }
0xd3: {  	_ =	swait.ge @!p0 [sflag:s29], $0x2000  }
0xd4: {  	[sflag:s29] =	ssyncset.done @!p0 $0x0  }
0xd5: {  	[sflag:s29] =	ssyncadd.s32 @!p0 $0xFFFFE000  }
0xd6: {  	[spmem:s7], [sflag:s30] =	dma.local @!p0 [hbm:s26], $0x2000  }
0xd7: {  	_ =	swait.ge @!p0 [sflag:s29], $0x2000  }
0xd8: {  	[sflag:s29] =	ssyncset.done @!p0 $0x0  }
0xd9: {  	s0 =	rddreg [dreg:$0x5];
	[sflag:s29] =	ssyncadd.s32 @!p0 $0xFFFFE000  }
0xda: {  	[tilespmem:s10], [sflag:$0x3] =	stream.linear.gather [hbm4b:s0+s6], $0x3E80, $0x38;
	[tilespmem:$0x12300] =	vst v63  }
0xdb: {  	_ =	swait.ge [sflag:s28], $0x3E80  }
0xdc: {  	[sflag:s28] =	ssyncset.done $0x0  }
0xdd: {  	[sflag:s28] =	ssyncadd.s32 $0xFFFFC180  }
0xde: {  	[bflag:$0x0] =	sbarrier.arrive $0xFFFF  }
0xdf: {  	s31 =	rddreg [dreg:$0x6]  }
0xe0: {  	[tilespmem:s15], [sflag:$0x1] =	stream.linear.gather [hbm4b:s31+s6], $0x80, $0x38;
	[tilespmem:$0x12300] =	vst v63  }
0xe1: {  	_ = 	snop  }
0xe2: {  	[tilespmem:s18], [sflag:$0x1] =	stream.linear.gather [hbm4b:s21+s6], $0x80, $0x38;
	[tilespmem:$0x12300] =	vst v63  }
0xe3: {  	_ = 	snop  }
0xe4: {  	[tilespmem:s12], [sflag:$0x1] =	stream.linear.gather [hbm4b:s22+s6], $0x80, $0x38;
	[tilespmem:$0x12300] =	vst v63  }
0xe5: {  	_ = 	snop  }
0xe6: {  	[tilespmem:s19], [sflag:$0x1] =	stream.linear.gather [hbm4b:s23+s6], $0x80, $0x38;
	[tilespmem:$0x12300] =	vst v63  }
0xe7: {  	_ = 	snop  }
0xe8: {  	[tilespmem:s11], [sflag:$0x1] =	stream.linear.gather [hbm4b:s24+s6], $0x80, $0x38;
	[tilespmem:$0x12300] =	vst v63  }
0xe9: {  	_ = 	snop  }
0xea: {  	[tilespmem:s20], [sflag:$0x1] =	stream.linear.gather [hbm4b:s25+s6], $0x80, $0x38;
	[tilespmem:$0x12300] =	vst v63  }
0xeb: {  	_ =	swait.ge [sflag:s13], $0x80  }
0xec: {  	[sflag:s13] =	ssyncset.done $0x0  }
0xed: {  	[sflag:s13] =	ssyncadd.s32 $0xFFFFFF80  }
0xee: {  	_ =	swait.ge [sflag:s13], $0x80  }
0xef: {  	[sflag:s13] =	ssyncset.done $0x0  }
0xf0: {  	[sflag:s13] =	ssyncadd.s32 $0xFFFFFF80  }
0xf1: {  	_ =	swait.ge [sflag:s13], $0x80  }
0xf2: {  	[sflag:s13] =	ssyncset.done $0x0  }
0xf3: {  	[sflag:s13] =	ssyncadd.s32 $0xFFFFFF80  }
0xf4: {  	_ =	swait.ge [sflag:s13], $0x80  }
0xf5: {  	[sflag:s13] =	ssyncset.done $0x0  }
0xf6: {  	[sflag:s13] =	ssyncadd.s32 $0xFFFFFF80  }
0xf7: {  	_ =	swait.ge [sflag:s13], $0x80  }
0xf8: {  	[sflag:s13] =	ssyncset.done $0x0  }
0xf9: {  	[sflag:s13] =	ssyncadd.s32 $0xFFFFFF80  }
0xfa: {  	_ =	swait.ge [sflag:s13], $0x80  }
0xfb: {  	[sflag:s13] =	ssyncset.done $0x0  }
0xfc: {  	[sflag:s13] =	ssyncadd.s32 $0xFFFFFF80  }
0xfd: {  	[tilespmem:s6], [sflag:$0x1] =	stream.indirect.gather [hbm4b:s4+s14], $0x80, s18, s14, $0xb8;
	[tilespmem:$0x12300] =	vst v63  }
0xfe: {  	_ = 	snop  }
0xff: {  	[tilespmem:s17], [sflag:$0x1] =	stream.indirect.gather [hbm4b:s4+s14], $0x80, s19, s14, $0xb8;
	[tilespmem:$0x12300] =	vst v63  }
0x100: {  	_ = 	snop  }
0x101: {  	[tilespmem:s16], [sflag:$0x1] =	stream.indirect.gather [hbm4b:s4+s14], $0x80, s20, s14, $0xb8;
	[tilespmem:$0x12300] =	vst v63  }
0x102: {  	_ =	swait.ge [sflag:s13], $0x3E80  }
0x103: {  	[sflag:s13] =	ssyncset.done $0x0  }
0x104: {  	[sflag:s13] =	ssyncadd.s32 $0xFFFFC180  }
0x105: {  	[spmem:s1] =	stream.indirect.scatter.add.f32 [tilespmem:s6], [sflag:$0x2], $0x80, s15, s14, $0xb8;
	[tilespmem:$0x12300] =	vst v63  }
0x106: {  	_ = 	snop  }
0x107: {  	[spmem:s2] =	stream.indirect.scatter.add.f32 [tilespmem:s10], [sflag:$0x2], $0x80, s15, s14, $0xb8;
	[tilespmem:$0x12300] =	vst v63  }
0x108: {  	_ =	swait.ge [sflag:s13], $0x3E80  }
0x109: {  	[sflag:s13] =	ssyncset.done $0x0  }
0x10a: {  	[sflag:s13] =	ssyncadd.s32 $0xFFFFC180  }
0x10b: {  	[spmem:s1] =	stream.indirect.scatter.add.f32 [tilespmem:s17], [sflag:$0x2], $0x80, s12, s14, $0xb8;
	[tilespmem:$0x12300] =	vst v63  }
0x10c: {  	_ = 	snop  }
0x10d: {  	[spmem:s2] =	stream.indirect.scatter.add.f32 [tilespmem:s10], [sflag:$0x2], $0x80, s12, s14, $0xb8;
	[tilespmem:$0x12300] =	vst v63  }
0x10e: {  	_ =	swait.ge [sflag:s13], $0x3E80  }
0x10f: {  	[sflag:s13] =	ssyncset.done $0x0  }
0x110: {  	[sflag:s13] =	ssyncadd.s32 $0xFFFFC180  }
0x111: {  	[spmem:s1] =	stream.indirect.scatter.add.f32 [tilespmem:s16], [sflag:$0x2], $0x80, s11, s14, $0xb8;
	[tilespmem:$0x12300] =	vst v63  }
0x112: {  	_ = 	snop  }
0x113: {  	[spmem:s2] =	stream.indirect.scatter.add.f32 [tilespmem:s10], [sflag:$0x2], $0x80, s11, s14, $0xb8;
	[tilespmem:$0x12300] =	vst v63  }
0x114: {  	_ =	swait.ge [sflag:s9], $0x3E80  }
0x115: {  	[sflag:s9] =	ssyncset.done $0x0  }
0x116: {  	[sflag:s9] =	ssyncadd.s32 $0xFFFFC180  }
0x117: {  	_ =	swait.ge [sflag:s9], $0x3E80  }
0x118: {  	[sflag:s9] =	ssyncset.done $0x0  }
0x119: {  	[sflag:s9] =	ssyncadd.s32 $0xFFFFC180  }
0x11a: {  	_ =	swait.ge [sflag:s9], $0x3E80  }
0x11b: {  	[sflag:s9] =	ssyncset.done $0x0  }
0x11c: {  	[sflag:s9] =	ssyncadd.s32 $0xFFFFC180  }
0x11d: {  	_ =	swait.ge [sflag:s9], $0x3E80  }
0x11e: {  	[sflag:s9] =	ssyncset.done $0x0  }
0x11f: {  	[sflag:s9] =	ssyncadd.s32 $0xFFFFC180  }
0x120: {  	_ =	swait.ge [sflag:s9], $0x3E80  }
0x121: {  	[sflag:s9] =	ssyncset.done $0x0  }
0x122: {  	[sflag:s9] =	ssyncadd.s32 $0xFFFFC180  }
0x123: {  	_ =	swait.ge [sflag:s9], $0x3E80  }
0x124: {  	[sflag:s9] =	ssyncset.done $0x0  }
0x125: {  	[sflag:s9] =	ssyncadd.s32 $0xFFFFC180  }
0x126: {  	[bflag:$0x0] =	sbarrier.arrive $0xFFFF  }
0x127: {  	[hbm:s5], [sflag:s30] =	dma.local @!p0 [spmem:s8], $0x2000  }
0x128: {  	_ =	swait.ge @!p0 [sflag:s29], $0x2000  }
0x129: {  	[sflag:s29] =	ssyncset.done @!p0 $0x0  }
0x12a: {  	[sflag:s29] =	ssyncadd.s32 @!p0 $0xFFFFE000  }
0x12b: {  	[hbm:s3], [sflag:s30] =	dma.local @!p0 [spmem:s7], $0x2000  }
0x12c: {  	_ =	swait.ge @!p0 [sflag:s29], $0x2000  }
0x12d: {  	[sflag:s29] =	ssyncset.done @!p0 $0x0  }
0x12e: {  	[sflag:s29] =	ssyncadd.s32 @!p0 $0xFFFFE000  }
0x12f: {  	_ =	sfence.sel $0x180000  }
0x130: {  	[bflag:$0x0] =	sbarrier.arrive $0xFFFF  }
0x131: {  	_ =	strace $0x90000047  }
0x132: {  	[bflag:$0x2] =	sbarrier.arrive $0xFFFF  }
0x133: {  	s0 =	rddreg [dreg:$0x4]  }
0x134: {  	s0 =	sadd.s32 @!p0 $0x100000, s0  }
0x135: {  	[sflag:s0] =	ssyncadd.tile.s32 @!p0 $0x1;
	_ =	shalt  }
.Lfunc_end2:
_tile_overlayer_lowered:
.L_overlay_start_2:
0x136: {  	(tag) =	ssettag $0x2  }
0x137: {  	s0 =	rddreg [dreg:$0x0];
	s2 =	stileid.u32  }
0x138: {  	s1 =	rddreg [dreg:$0x1];
	p0 =	sne.s32 s2, $0x0  }
0x139: {  	s3 =	rddreg [dreg:$0x2];
	[bflag:$0x3] =	sbarrier.arrive $0xFFFF;
	s2 =	simm.s32 @!p0 $0x1C03  }
0x13a: {  	[timem:s3], [sflag:s2] =	dma.local @!p0 [hbm:s0], s1  }
0x13b: {  	s0 =	simm.s32 @!p0 $0x3  }
0x13c: {  	_ =	swait.ge @!p0 [sflag:s0], s1  }
0x13d: {  	s1 =	ssub.s32 @!p0 $0x0, s1;
	[sflag:s0] =	ssyncset.done @!p0 $0x0  }
0x13e: {  	[sflag:s0] =	ssyncadd.s32 @!p0 s1  }
0x13f: {  	[bflag:$0x3] =	sbarrier.arrive $0xFFFF  }
0x140: {  	_ =	shalt  }

</sc_bundles>
